<compile_context>
chip_gen: v7x
topology: tpu7x:2x2x1
jax: 0.10.2.dev20260603
libtpu: 0.0.44.dev20260713+nightly
codegen_flags: <defaults>
</compile_context>

<pallas_src>
import functools

import jax
import jax.numpy as jnp
from jax import lax
from jax.experimental import pallas as pl
from jax.experimental.pallas import tpu as pltpu, tpu_sc as plsc

N = 10000
D = 128
E = 320000

NC = 2
NS = 16
NW = NC * NS

CH = 128
NCHUNK = 80
E_PAD = NW * NCHUNK * CH
ACC_N = 10112
RPT = ACC_N // NS

_mesh = plsc.VectorSubcoreMesh(core_axis_name="c", subcore_axis_name="s",
                               num_cores=NC, num_subcores=NS)



def _deg_body(dst_hbm, ones_hbm, zrows_hbm, deg_out, dstidx, onesbuf, deg_sh):
    cid = lax.axis_index("c")
    sid = lax.axis_index("s")
    wid = cid * NS + sid
    base_r = sid * RPT
    pltpu.sync_copy(zrows_hbm, deg_sh.at[pl.ds(base_r, RPT)])
    pltpu.sync_copy(ones_hbm, onesbuf)
    pltpu.sync_copy(dst_hbm.at[wid], dstidx)
    plsc.subcore_barrier()

    def chunk(i, carry):
        pltpu.sync_copy(onesbuf, deg_sh.at[dstidx.at[i]], add=True)
        return carry

    lax.fori_loop(0, NCHUNK, chunk, 0)
    plsc.subcore_barrier()
    pltpu.sync_copy(deg_sh.at[pl.ds(base_r, RPT)],
                    deg_out.at[cid, pl.ds(base_r, RPT)])


WCH = 40
WPAIR = WCH // 2
NWIN = NCHUNK // WCH


def _agg_body(y_hbm, src_hbm, dst_hbm, zrows_hbm, acc_out,
              srcidx, dstidx, rows0, rows1, acc_sh, sem0, sem1):
    cid = lax.axis_index("c")
    sid = lax.axis_index("s")
    base_r = sid * RPT
    base_chunk = (1 - cid) * NS * NCHUNK + sid * NCHUNK
    pltpu.sync_copy(zrows_hbm, acc_sh.at[pl.ds(base_r, RPT)])
    plsc.subcore_barrier()

    def window(w, carry):
        cb = base_chunk + w * WCH
        pltpu.sync_copy(src_hbm.at[pl.ds(cb, WCH)], srcidx)
        pltpu.sync_copy(dst_hbm.at[pl.ds(cb, WCH)], dstidx)
        pltpu.async_copy(y_hbm.at[srcidx.at[0]], rows0, sem0)

        def pair(j, c):
            i0 = 2 * j
            pltpu.async_copy(y_hbm.at[srcidx.at[i0 + 1]], rows1, sem1)
            pltpu.make_async_copy(y_hbm.at[srcidx.at[i0]], rows0, sem0).wait()
            pltpu.sync_copy(rows0, acc_sh.at[dstidx.at[i0]], add=True)

            @pl.when(j < WPAIR - 1)
            def _():
                pltpu.async_copy(y_hbm.at[srcidx.at[i0 + 2]], rows0, sem0)

            pltpu.make_async_copy(y_hbm.at[srcidx.at[i0 + 1]], rows1,
                                  sem1).wait()
            pltpu.sync_copy(rows1, acc_sh.at[dstidx.at[i0 + 1]], add=True)
            return c

        lax.fori_loop(0, WPAIR, pair, 0)
        return carry

    lax.fori_loop(0, NWIN, window, 0)
    plsc.subcore_barrier()
    pltpu.sync_copy(acc_sh.at[pl.ds(base_r, RPT)],
                    acc_out.at[cid, pl.ds(base_r, RPT)])


_DEG_SCRATCH = [
    pltpu.VMEM((NCHUNK, CH), jnp.int32),
    pltpu.VMEM((CH, D), jnp.float32),
    pltpu.VMEM_SHARED((ACC_N, D), jnp.float32),
]
_AGG_SCRATCH = [
    pltpu.VMEM((WCH, CH), jnp.int32),
    pltpu.VMEM((WCH, CH), jnp.int32),
    pltpu.VMEM((CH, D), jnp.float32),
    pltpu.VMEM((CH, D), jnp.float32),
    pltpu.VMEM_SHARED((ACC_N, D), jnp.float32),
    pltpu.SemaphoreType.DMA,
    pltpu.SemaphoreType.DMA,
]

_deg_kernel = pl.kernel(
    _deg_body,
    out_type=jax.ShapeDtypeStruct((NC, ACC_N, D), jnp.float32),
    mesh=_mesh,
    scratch_types=_DEG_SCRATCH,
)

_agg_kernel = pl.kernel(
    _agg_body,
    out_type=jax.ShapeDtypeStruct((NC, ACC_N, D), jnp.float32),
    mesh=_mesh,
    scratch_types=_AGG_SCRATCH,
)



def _dense1_body(x_ref, w_ref, d0_ref, d1_ref, y_ref, dinv_ref):
    deg = d0_ref[...] + d1_ref[...] + 1.0
    dinv = lax.rsqrt(deg)
    y_ref[...] = (x_ref[...] @ w_ref[...]) * dinv
    dinv_ref[...] = dinv


def _mid_body(a0_ref, a1_ref, yp_ref, dinv_ref, b_ref, g_ref, be_ref, w_ref,
              y_ref):
    dinv = dinv_ref[...]
    pre = (a0_ref[...] + a1_ref[...] + yp_ref[...]) * dinv + b_ref[...]
    mu = jnp.mean(pre, axis=0, keepdims=True)
    var = jnp.mean((pre - mu) ** 2, axis=0, keepdims=True)
    h = jnp.maximum((pre - mu) * lax.rsqrt(var + 1e-5) * g_ref[...]
                    + be_ref[...], 0.0)
    y_ref[...] = (h @ w_ref[...]) * dinv


def _final_body(a0_ref, a1_ref, yp_ref, dinv_ref, b_ref, out_ref):
    out_ref[...] = ((a0_ref[...] + a1_ref[...] + yp_ref[...]) * dinv_ref[...]
                    + b_ref[...])


_f32 = jnp.float32

_dense1 = pl.pallas_call(
    _dense1_body,
    out_shape=(jax.ShapeDtypeStruct((N, D), _f32),
               jax.ShapeDtypeStruct((N, 1), _f32)),
)

_mid = pl.pallas_call(
    _mid_body,
    out_shape=jax.ShapeDtypeStruct((N, D), _f32),
)

_final = pl.pallas_call(
    _final_body,
    out_shape=jax.ShapeDtypeStruct((N, D), _f32),
)



def kernel(x, edge_index, W1, b1, g1, be1, W2, b2, g2, be2, W3, b3):
    src = edge_index[0].astype(jnp.int32)
    dst = edge_index[1].astype(jnp.int32)
    pad = E_PAD - E
    src_p = jnp.concatenate([src, jnp.zeros((pad,), jnp.int32)])
    dst_p = jnp.concatenate([dst, jnp.full((pad,), N, jnp.int32)])
    src_c = src_p.reshape(E_PAD // CH, CH)
    dst_c = dst_p.reshape(E_PAD // CH, CH)
    dst_t = dst_p.reshape(NW, NCHUNK, CH)

    ones_rows = jnp.ones((CH, D), _f32)
    zrows = jnp.zeros((RPT, D), _f32)

    degp = _deg_kernel(dst_t, ones_rows, zrows)
    d0 = degp[0, :N, 0:1]
    d1 = degp[1, :N, 0:1]

    y1, dinv = _dense1(x, W1, d0, d1)
    acc = _agg_kernel(y1, src_c, dst_c, zrows)
    y2 = _mid(acc[0, :N], acc[1, :N], y1, dinv, b1.reshape(1, D),
              g1.reshape(1, D), be1.reshape(1, D), W2)
    acc = _agg_kernel(y2, src_c, dst_c, zrows)
    y3 = _mid(acc[0, :N], acc[1, :N], y2, dinv, b2.reshape(1, D),
              g2.reshape(1, D), be2.reshape(1, D), W3)
    acc = _agg_kernel(y3, src_c, dst_c, zrows)
    out = _final(acc[0, :N], acc[1, :N], y3, dinv, b3.reshape(1, D))
    return out

# --- scband reference (transcript-rebuilt; emitter-appended) ---
"""Pipeline reference for scband-gcnmodel-58789512347897 (READ-ONLY COPY).

The authoritative reference and input builder live on the scoring server;
editing this copy changes nothing except your own understanding.
"""

import jax, jax.numpy as jnp
import numpy as np

N = 10000
D = 128
H = 128
EMB = 128
E = 320000

def setup_inputs(seed: int = 0):
    key = jax.random.key(seed)
    ks = jax.random.split(key, 13)
    x = jax.random.normal(ks[0], (N, D), dtype=jnp.float32)
    edge_index = jax.random.randint(ks[1], (2, E), 0, N)
    W1 = jax.random.normal(ks[2], (D, H), dtype=jnp.float32) * 0.05
    b1 = jnp.zeros((H,), dtype=jnp.float32)
    g1 = jnp.ones((H,), dtype=jnp.float32)
    be1 = jnp.zeros((H,), dtype=jnp.float32)
    W2 = jax.random.normal(ks[3], (H, H), dtype=jnp.float32) * 0.05
    b2 = jnp.zeros((H,), dtype=jnp.float32)
    g2 = jnp.ones((H,), dtype=jnp.float32)
    be2 = jnp.zeros((H,), dtype=jnp.float32)
    W3 = jax.random.normal(ks[4], (H, EMB), dtype=jnp.float32) * 0.05
    b3 = jnp.zeros((EMB,), dtype=jnp.float32)
    return {"x": x, "edge_index": edge_index, "W1": W1, "b1": b1, "g1": g1, "be1": be1,
            "W2": W2, "b2": b2, "g2": g2, "be2": be2, "W3": W3, "b3": b3}

def gcn_conv(x, edge_index, W, b):
    # GCNConv: add self-loops, symmetric normalization, sum aggregation
    src = edge_index[0]
    dst = edge_index[1]
    loop = jnp.arange(N, dtype=src.dtype)
    src = jnp.concatenate([src, loop])
    dst = jnp.concatenate([dst, loop])
    xw = x @ W
    deg = jnp.zeros((N,), dtype=xw.dtype).at[dst].add(1.0)
    dinv = jax.lax.rsqrt(deg)  # deg >= 1 due to self-loops
    norm = (dinv[src] * dinv[dst])[:, None]
    msg = jnp.take(xw, src, axis=0) * norm
    out = jnp.zeros((N, W.shape[1]), dtype=xw.dtype).at[dst].add(msg)
    return out + b

def batchnorm(x, g, b, eps=1e-5):
    mu = jnp.mean(x, axis=0)
    var = jnp.var(x, axis=0)
    return (x - mu) * jax.lax.rsqrt(var + eps) * g + b

def reference(x, edge_index, W1, b1, g1, be1, W2, b2, g2, be2, W3, b3):
    h = jax.nn.relu(batchnorm(gcn_conv(x, edge_index, W1, b1), g1, be1))
    h = jax.nn.relu(batchnorm(gcn_conv(h, edge_index, W2, b2), g2, be2))
    out = gcn_conv(h, edge_index, W3, b3)
    return out

if __name__ == "__main__":
    import jax
    _d = setup_inputs()
    print(jax.jit(kernel)(*tuple(_d.values())))

</pallas_src>

<mosaic_0001>
#map = affine_map<(d0, d1) -> (0, 0, 0)>
#map1 = affine_map<(d0, d1) -> (0, 0)>
module attributes {stable_mosaic.version = 14 : i64} {
  func.func @_deg_body(%arg0: i32, %arg1: i32, %arg2: memref<32x80x128xi32, #tpu.memory_space<hbm>>, %arg3: memref<128x128xf32, #tpu.memory_space<hbm>>, %arg4: memref<632x128xf32, #tpu.memory_space<hbm>>, %arg5: memref<2x10112x128xf32, #tpu.memory_space<hbm>>, %arg6: memref<80x128xi32, #tpu.memory_space<vmem>>, %arg7: memref<128x128xf32, #tpu.memory_space<vmem>>, %arg8: memref<10112x128xf32, #tpu.memory_space<vmem_shared>>) attributes {dimension_semantics = [#tpu.dimension_semantics<core_parallel>, #tpu.dimension_semantics<subcore_parallel>], iteration_bounds = array<i64: 2, 16>, scalar_prefetch = 0 : i64, scratch_operands = 3 : i64, tpu.core_type = #tpu.core_type<sc_vector_subcore>, window_params = [{transform_indices = #map}, {transform_indices = #map1}, {transform_indices = #map1}, {transform_indices = #map}]} {
    %mul3A = arith.constant 16 : i32
    %mul3A_0 = arith.muli %arg0, %mul3A : i32
    %add3A = arith.addi %mul3A_0, %arg1 : i32
    %mul3A_1 = arith.constant 632 : i32
    %mul3A_2 = arith.muli %arg1, %mul3A_1 : i32
    "tpu.region"() ({
      %run_scoped3A = tpu.sem_alloc : memref<!tpu.dma_semaphore, #tpu.memory_space<semaphore_mem>>
      %dma_start3A = arith.constant 0 : i32
      %dma_start3A_9 = tpu.memref_slice %arg8[%mul3A_2, %dma_start3A] : memref<10112x128xf32, #tpu.memory_space<vmem_shared>> -> memref<632x128xf32, #tpu.memory_space<vmem_shared>>
      tpu.enqueue_dma source(%arg4 : memref<632x128xf32, #tpu.memory_space<hbm>>) target(%dma_start3A_9 : memref<632x128xf32, #tpu.memory_space<vmem_shared>>) target_semaphore(%run_scoped3A : memref<!tpu.dma_semaphore, #tpu.memory_space<semaphore_mem>>)
      %dma_wait3A = arith.constant 0 : i32
      %dma_wait3A_10 = tpu.memref_slice %arg8[%mul3A_2, %dma_wait3A] : memref<10112x128xf32, #tpu.memory_space<vmem_shared>> -> memref<632x128xf32, #tpu.memory_space<vmem_shared>>
      tpu.wait_dma2 semaphore(%run_scoped3A : memref<!tpu.dma_semaphore, #tpu.memory_space<semaphore_mem>>) src(%arg4 : memref<632x128xf32, #tpu.memory_space<hbm>>) dst(%dma_wait3A_10 : memref<632x128xf32, #tpu.memory_space<vmem_shared>>)
      tpu.yield
    }) : () -> ()
    "tpu.region"() ({
      %run_scoped3A = tpu.sem_alloc : memref<!tpu.dma_semaphore, #tpu.memory_space<semaphore_mem>>
      tpu.enqueue_dma source(%arg3 : memref<128x128xf32, #tpu.memory_space<hbm>>) target(%arg7 : memref<128x128xf32, #tpu.memory_space<vmem>>) target_semaphore(%run_scoped3A : memref<!tpu.dma_semaphore, #tpu.memory_space<semaphore_mem>>)
      tpu.wait_dma2 semaphore(%run_scoped3A : memref<!tpu.dma_semaphore, #tpu.memory_space<semaphore_mem>>) src(%arg3 : memref<128x128xf32, #tpu.memory_space<hbm>>) dst(%arg7 : memref<128x128xf32, #tpu.memory_space<vmem>>)
      tpu.yield
    }) : () -> ()
    "tpu.region"() ({
      %run_scoped3A = tpu.sem_alloc : memref<!tpu.dma_semaphore, #tpu.memory_space<semaphore_mem>>
      %dma_start3A = arith.constant 0 : i32
      %dma_start3A_9 = arith.constant 0 : i32
      %dma_start3A_10 = tpu.memref_slice %arg2[%add3A, %dma_start3A, %dma_start3A_9] : memref<32x80x128xi32, #tpu.memory_space<hbm>> -> memref<1x80x128xi32, #tpu.memory_space<hbm>>
      %dma_start3A_11 = tpu.memref_squeeze %dma_start3A_10 : memref<1x80x128xi32, #tpu.memory_space<hbm>> -> memref<80x128xi32, #tpu.memory_space<hbm>>
      %dma_start3A_12 = arith.constant 0 : i32
      %dma_start3A_13 = arith.constant 0 : i32
      %dma_start3A_14 = tpu.memref_slice %arg2[%add3A, %dma_start3A_12, %dma_start3A_13] : memref<32x80x128xi32, #tpu.memory_space<hbm>> -> memref<1x80x128xi32, #tpu.memory_space<hbm>>
      %dma_start3A_15 = tpu.memref_squeeze %dma_start3A_14 : memref<1x80x128xi32, #tpu.memory_space<hbm>> -> memref<80x128xi32, #tpu.memory_space<hbm>>
      tpu.enqueue_dma source(%dma_start3A_15 : memref<80x128xi32, #tpu.memory_space<hbm>>) target(%arg6 : memref<80x128xi32, #tpu.memory_space<vmem>>) target_semaphore(%run_scoped3A : memref<!tpu.dma_semaphore, #tpu.memory_space<semaphore_mem>>)
      %dma_wait3A = arith.constant 0 : i32
      %dma_wait3A_16 = arith.constant 0 : i32
      %dma_wait3A_17 = tpu.memref_slice %arg2[%add3A, %dma_wait3A, %dma_wait3A_16] : memref<32x80x128xi32, #tpu.memory_space<hbm>> -> memref<1x80x128xi32, #tpu.memory_space<hbm>>
      %dma_wait3A_18 = tpu.memref_squeeze %dma_wait3A_17 : memref<1x80x128xi32, #tpu.memory_space<hbm>> -> memref<80x128xi32, #tpu.memory_space<hbm>>
      %dma_wait3A_19 = arith.constant 0 : i32
      %dma_wait3A_20 = arith.constant 0 : i32
      %dma_wait3A_21 = tpu.memref_slice %arg2[%add3A, %dma_wait3A_19, %dma_wait3A_20] : memref<32x80x128xi32, #tpu.memory_space<hbm>> -> memref<1x80x128xi32, #tpu.memory_space<hbm>>
      %dma_wait3A_22 = tpu.memref_squeeze %dma_wait3A_21 : memref<1x80x128xi32, #tpu.memory_space<hbm>> -> memref<80x128xi32, #tpu.memory_space<hbm>>
      tpu.wait_dma2 semaphore(%run_scoped3A : memref<!tpu.dma_semaphore, #tpu.memory_space<semaphore_mem>>) src(%dma_wait3A_22 : memref<80x128xi32, #tpu.memory_space<hbm>>) dst(%arg6 : memref<80x128xi32, #tpu.memory_space<vmem>>)
      tpu.yield
    }) : () -> ()
    %barrier3A = arith.constant 0 : index
    tpu.barrier barrier_id(%barrier3A)
    %scan3A = arith.constant 0 : i32
    %scan3A_3 = arith.constant 0 : i32
    %scan3A_4 = arith.constant 80 : i32
    %scan3A_5 = arith.addi %scan3A_3, %scan3A_4 : i32
    %scan3A_6 = arith.constant 1 : i32
    scf.for %scan3A_9 = %scan3A_3 to %scan3A_5 step %scan3A_6  : i32 {
      "tpu.region"() ({
        %run_scoped3A = tpu.sem_alloc : memref<!tpu.dma_semaphore, #tpu.memory_space<semaphore_mem>>
        %dma_start3A = arith.constant 0 : i32
        %dma_start3A_10 = tpu.memref_slice %arg6[%scan3A_9, %dma_start3A] : memref<80x128xi32, #tpu.memory_space<vmem>> -> memref<1x128xi32, #tpu.memory_space<vmem>>
        %dma_start3A_11 = tpu.memref_squeeze %dma_start3A_10 : memref<1x128xi32, #tpu.memory_space<vmem>> -> memref<128xi32, #tpu.memory_space<vmem>>
        %dma_start3A_12 = arith.constant 0 : i32
        %dma_start3A_13 = arith.constant 0 : i32
        %dma_start3A_14 = tpu.memref_slice %arg8[%dma_start3A_12, %dma_start3A_13] : memref<10112x128xf32, #tpu.memory_space<vmem_shared>> -> memref<10112x128xf32, #tpu.memory_space<vmem_shared>>
        tpu.enqueue_indirect_dma source(%arg7 : memref<128x128xf32, #tpu.memory_space<vmem>>) target(%dma_start3A_14 : memref<10112x128xf32, #tpu.memory_space<vmem_shared>>) offsets(%dma_start3A_11 : memref<128xi32, #tpu.memory_space<vmem>>) semaphore(%run_scoped3A : memref<!tpu.dma_semaphore, #tpu.memory_space<semaphore_mem>>) {add = true}
        %dma_wait3A = arith.constant 0 : i32
        %dma_wait3A_15 = tpu.memref_slice %arg6[%scan3A_9, %dma_wait3A] : memref<80x128xi32, #tpu.memory_space<vmem>> -> memref<1x128xi32, #tpu.memory_space<vmem>>
        %dma_wait3A_16 = tpu.memref_squeeze %dma_wait3A_15 : memref<1x128xi32, #tpu.memory_space<vmem>> -> memref<128xi32, #tpu.memory_space<vmem>>
        %dma_wait3A_17 = arith.constant 0 : i32
        %dma_wait3A_18 = arith.constant 0 : i32
        %dma_wait3A_19 = tpu.memref_slice %arg8[%dma_wait3A_17, %dma_wait3A_18] : memref<10112x128xf32, #tpu.memory_space<vmem_shared>> -> memref<10112x128xf32, #tpu.memory_space<vmem_shared>>
        tpu.wait_indirect_dma semaphore(%run_scoped3A : memref<!tpu.dma_semaphore, #tpu.memory_space<semaphore_mem>>) src(%arg7 : memref<128x128xf32, #tpu.memory_space<vmem>>) dst(%dma_wait3A_19 : memref<10112x128xf32, #tpu.memory_space<vmem_shared>>)
        tpu.yield
      }) : () -> ()
    }
    %scan3A_7 = arith.constant 80 : i32
    %barrier3A_8 = arith.constant 0 : index
    tpu.barrier barrier_id(%barrier3A_8)
    "tpu.region"() ({
      %run_scoped3A = tpu.sem_alloc : memref<!tpu.dma_semaphore, #tpu.memory_space<semaphore_mem>>
      %dma_start3A = arith.constant 0 : i32
      %dma_start3A_9 = tpu.memref_slice %arg5[%arg0, %mul3A_2, %dma_start3A] : memref<2x10112x128xf32, #tpu.memory_space<hbm>> -> memref<1x632x128xf32, #tpu.memory_space<hbm>>
      %dma_start3A_10 = tpu.memref_squeeze %dma_start3A_9 : memref<1x632x128xf32, #tpu.memory_space<hbm>> -> memref<632x128xf32, #tpu.memory_space<hbm>>
      %dma_start3A_11 = arith.constant 0 : i32
      %dma_start3A_12 = tpu.memref_slice %arg8[%mul3A_2, %dma_start3A_11] : memref<10112x128xf32, #tpu.memory_space<vmem_shared>> -> memref<632x128xf32, #tpu.memory_space<vmem_shared>>
      tpu.enqueue_dma source(%dma_start3A_12 : memref<632x128xf32, #tpu.memory_space<vmem_shared>>) target(%dma_start3A_10 : memref<632x128xf32, #tpu.memory_space<hbm>>) target_semaphore(%run_scoped3A : memref<!tpu.dma_semaphore, #tpu.memory_space<semaphore_mem>>)
      %dma_wait3A = arith.constant 0 : i32
      %dma_wait3A_13 = tpu.memref_slice %arg5[%arg0, %mul3A_2, %dma_wait3A] : memref<2x10112x128xf32, #tpu.memory_space<hbm>> -> memref<1x632x128xf32, #tpu.memory_space<hbm>>
      %dma_wait3A_14 = tpu.memref_squeeze %dma_wait3A_13 : memref<1x632x128xf32, #tpu.memory_space<hbm>> -> memref<632x128xf32, #tpu.memory_space<hbm>>
      %dma_wait3A_15 = arith.constant 0 : i32
      %dma_wait3A_16 = tpu.memref_slice %arg8[%mul3A_2, %dma_wait3A_15] : memref<10112x128xf32, #tpu.memory_space<vmem_shared>> -> memref<632x128xf32, #tpu.memory_space<vmem_shared>>
      tpu.wait_dma2 semaphore(%run_scoped3A : memref<!tpu.dma_semaphore, #tpu.memory_space<semaphore_mem>>) src(%dma_wait3A_16 : memref<632x128xf32, #tpu.memory_space<vmem_shared>>) dst(%dma_wait3A_14 : memref<632x128xf32, #tpu.memory_space<hbm>>)
      tpu.yield
    }) : () -> ()
    return
  }
}

#map = affine_map<(d0, d1) -> (0, 0)>
#map1 = affine_map<(d0, d1) -> (0, 0, 0)>
module attributes {stable_mosaic.version = 14 : i64} {
  func.func @_agg_body(%arg0: i32, %arg1: i32, %arg2: memref<10000x128xf32, #tpu.memory_space<hbm>>, %arg3: memref<2560x128xi32, #tpu.memory_space<hbm>>, %arg4: memref<2560x128xi32, #tpu.memory_space<hbm>>, %arg5: memref<632x128xf32, #tpu.memory_space<hbm>>, %arg6: memref<2x10112x128xf32, #tpu.memory_space<hbm>>, %arg7: memref<40x128xi32, #tpu.memory_space<vmem>>, %arg8: memref<40x128xi32, #tpu.memory_space<vmem>>, %arg9: memref<128x128xf32, #tpu.memory_space<vmem>>, %arg10: memref<128x128xf32, #tpu.memory_space<vmem>>, %arg11: memref<10112x128xf32, #tpu.memory_space<vmem_shared>>, %arg12: memref<!tpu.dma_semaphore, #tpu.memory_space<semaphore_mem>>, %arg13: memref<!tpu.dma_semaphore, #tpu.memory_space<semaphore_mem>>) attributes {dimension_semantics = [#tpu.dimension_semantics<core_parallel>, #tpu.dimension_semantics<subcore_parallel>], iteration_bounds = array<i64: 2, 16>, scalar_prefetch = 0 : i64, scratch_operands = 7 : i64, tpu.core_type = #tpu.core_type<sc_vector_subcore>, window_params = [{transform_indices = #map}, {transform_indices = #map}, {transform_indices = #map}, {transform_indices = #map}, {transform_indices = #map1}]} {
    %mul3A = arith.constant 632 : i32
    %mul3A_0 = arith.muli %arg1, %mul3A : i32
    %sub3A = arith.constant 1 : i32
    %sub3A_1 = arith.subi %sub3A, %arg0 : i32
    %mul3A_2 = arith.constant 16 : i32
    %mul3A_3 = arith.muli %sub3A_1, %mul3A_2 : i32
    %mul3A_4 = arith.constant 80 : i32
    %mul3A_5 = arith.muli %mul3A_3, %mul3A_4 : i32
    %mul3A_6 = arith.constant 80 : i32
    %mul3A_7 = arith.muli %arg1, %mul3A_6 : i32
    %add3A = arith.addi %mul3A_5, %mul3A_7 : i32
    "tpu.region"() ({
      %run_scoped3A = tpu.sem_alloc : memref<!tpu.dma_semaphore, #tpu.memory_space<semaphore_mem>>
      %dma_start3A = arith.constant 0 : i32
      %dma_start3A_14 = tpu.memref_slice %arg11[%mul3A_0, %dma_start3A] : memref<10112x128xf32, #tpu.memory_space<vmem_shared>> -> memref<632x128xf32, #tpu.memory_space<vmem_shared>>
      tpu.enqueue_dma source(%arg5 : memref<632x128xf32, #tpu.memory_space<hbm>>) target(%dma_start3A_14 : memref<632x128xf32, #tpu.memory_space<vmem_shared>>) target_semaphore(%run_scoped3A : memref<!tpu.dma_semaphore, #tpu.memory_space<semaphore_mem>>)
      %dma_wait3A = arith.constant 0 : i32
      %dma_wait3A_15 = tpu.memref_slice %arg11[%mul3A_0, %dma_wait3A] : memref<10112x128xf32, #tpu.memory_space<vmem_shared>> -> memref<632x128xf32, #tpu.memory_space<vmem_shared>>
      tpu.wait_dma2 semaphore(%run_scoped3A : memref<!tpu.dma_semaphore, #tpu.memory_space<semaphore_mem>>) src(%arg5 : memref<632x128xf32, #tpu.memory_space<hbm>>) dst(%dma_wait3A_15 : memref<632x128xf32, #tpu.memory_space<vmem_shared>>)
      tpu.yield
    }) : () -> ()
    %barrier3A = arith.constant 0 : index
    tpu.barrier barrier_id(%barrier3A)
    %scan3A = arith.constant 0 : i32
    %scan3A_8 = arith.constant 0 : i32
    %scan3A_9 = arith.constant 2 : i32
    %scan3A_10 = arith.addi %scan3A_8, %scan3A_9 : i32
    %scan3A_11 = arith.constant 1 : i32
    scf.for %scan3A_14 = %scan3A_8 to %scan3A_10 step %scan3A_11  : i32 {
      %mul3A_15 = arith.constant 40 : i32
      %mul3A_16 = arith.muli %scan3A_14, %mul3A_15 : i32
      %add3A_17 = arith.addi %add3A, %mul3A_16 : i32
      "tpu.region"() ({
        %run_scoped3A = tpu.sem_alloc : memref<!tpu.dma_semaphore, #tpu.memory_space<semaphore_mem>>
        %dma_start3A_30 = arith.constant 0 : i32
        %dma_start3A_31 = tpu.memref_slice %arg3[%add3A_17, %dma_start3A_30] : memref<2560x128xi32, #tpu.memory_space<hbm>> -> memref<40x128xi32, #tpu.memory_space<hbm>>
        %dma_start3A_32 = arith.constant 0 : i32
        %dma_start3A_33 = tpu.memref_slice %arg3[%add3A_17, %dma_start3A_32] : memref<2560x128xi32, #tpu.memory_space<hbm>> -> memref<40x128xi32, #tpu.memory_space<hbm>>
        tpu.enqueue_dma source(%dma_start3A_33 : memref<40x128xi32, #tpu.memory_space<hbm>>) target(%arg7 : memref<40x128xi32, #tpu.memory_space<vmem>>) target_semaphore(%run_scoped3A : memref<!tpu.dma_semaphore, #tpu.memory_space<semaphore_mem>>)
        %dma_wait3A = arith.constant 0 : i32
        %dma_wait3A_34 = tpu.memref_slice %arg3[%add3A_17, %dma_wait3A] : memref<2560x128xi32, #tpu.memory_space<hbm>> -> memref<40x128xi32, #tpu.memory_space<hbm>>
        %dma_wait3A_35 = arith.constant 0 : i32
        %dma_wait3A_36 = tpu.memref_slice %arg3[%add3A_17, %dma_wait3A_35] : memref<2560x128xi32, #tpu.memory_space<hbm>> -> memref<40x128xi32, #tpu.memory_space<hbm>>
        tpu.wait_dma2 semaphore(%run_scoped3A : memref<!tpu.dma_semaphore, #tpu.memory_space<semaphore_mem>>) src(%dma_wait3A_36 : memref<40x128xi32, #tpu.memory_space<hbm>>) dst(%arg7 : memref<40x128xi32, #tpu.memory_space<vmem>>)
        tpu.yield
      }) : () -> ()
      "tpu.region"() ({
        %run_scoped3A = tpu.sem_alloc : memref<!tpu.dma_semaphore, #tpu.memory_space<semaphore_mem>>
        %dma_start3A_30 = arith.constant 0 : i32
        %dma_start3A_31 = tpu.memref_slice %arg4[%add3A_17, %dma_start3A_30] : memref<2560x128xi32, #tpu.memory_space<hbm>> -> memref<40x128xi32, #tpu.memory_space<hbm>>
        %dma_start3A_32 = arith.constant 0 : i32
        %dma_start3A_33 = tpu.memref_slice %arg4[%add3A_17, %dma_start3A_32] : memref<2560x128xi32, #tpu.memory_space<hbm>> -> memref<40x128xi32, #tpu.memory_space<hbm>>
        tpu.enqueue_dma source(%dma_start3A_33 : memref<40x128xi32, #tpu.memory_space<hbm>>) target(%arg8 : memref<40x128xi32, #tpu.memory_space<vmem>>) target_semaphore(%run_scoped3A : memref<!tpu.dma_semaphore, #tpu.memory_space<semaphore_mem>>)
        %dma_wait3A = arith.constant 0 : i32
        %dma_wait3A_34 = tpu.memref_slice %arg4[%add3A_17, %dma_wait3A] : memref<2560x128xi32, #tpu.memory_space<hbm>> -> memref<40x128xi32, #tpu.memory_space<hbm>>
        %dma_wait3A_35 = arith.constant 0 : i32
        %dma_wait3A_36 = tpu.memref_slice %arg4[%add3A_17, %dma_wait3A_35] : memref<2560x128xi32, #tpu.memory_space<hbm>> -> memref<40x128xi32, #tpu.memory_space<hbm>>
        tpu.wait_dma2 semaphore(%run_scoped3A : memref<!tpu.dma_semaphore, #tpu.memory_space<semaphore_mem>>) src(%dma_wait3A_36 : memref<40x128xi32, #tpu.memory_space<hbm>>) dst(%arg8 : memref<40x128xi32, #tpu.memory_space<vmem>>)
        tpu.yield
      }) : () -> ()
      %dma_start3A = arith.constant 0 : i32
      %dma_start3A_18 = arith.constant 0 : i32
      %dma_start3A_19 = tpu.memref_slice %arg7[%dma_start3A, %dma_start3A_18] : memref<40x128xi32, #tpu.memory_space<vmem>> -> memref<1x128xi32, #tpu.memory_space<vmem>>
      %dma_start3A_20 = tpu.memref_squeeze %dma_start3A_19 : memref<1x128xi32, #tpu.memory_space<vmem>> -> memref<128xi32, #tpu.memory_space<vmem>>
      %dma_start3A_21 = arith.constant 0 : i32
      %dma_start3A_22 = arith.constant 0 : i32
      %dma_start3A_23 = tpu.memref_slice %arg2[%dma_start3A_21, %dma_start3A_22] : memref<10000x128xf32, #tpu.memory_space<hbm>> -> memref<10000x128xf32, #tpu.memory_space<hbm>>
      tpu.enqueue_indirect_dma source(%dma_start3A_23 : memref<10000x128xf32, #tpu.memory_space<hbm>>) target(%arg9 : memref<128x128xf32, #tpu.memory_space<vmem>>) offsets(%dma_start3A_20 : memref<128xi32, #tpu.memory_space<vmem>>) semaphore(%arg12 : memref<!tpu.dma_semaphore, #tpu.memory_space<semaphore_mem>>)
      %scan3A_24 = arith.constant 0 : i32
      %scan3A_25 = arith.constant 0 : i32
      %scan3A_26 = arith.constant 20 : i32
      %scan3A_27 = arith.addi %scan3A_25, %scan3A_26 : i32
      %scan3A_28 = arith.constant 1 : i32
      scf.for %scan3A_30 = %scan3A_25 to %scan3A_27 step %scan3A_28  : i32 {
        %mul3A_31 = arith.constant 2 : i32
        %mul3A_32 = arith.muli %mul3A_31, %scan3A_30 : i32
        %add3A_33 = arith.constant 1 : i32
        %add3A_34 = arith.addi %mul3A_32, %add3A_33 : i32
        %dma_start3A_35 = arith.constant 0 : i32
        %dma_start3A_36 = tpu.memref_slice %arg7[%add3A_34, %dma_start3A_35] : memref<40x128xi32, #tpu.memory_space<vmem>> -> memref<1x128xi32, #tpu.memory_space<vmem>>
        %dma_start3A_37 = tpu.memref_squeeze %dma_start3A_36 : memref<1x128xi32, #tpu.memory_space<vmem>> -> memref<128xi32, #tpu.memory_space<vmem>>
        %dma_start3A_38 = arith.constant 0 : i32
        %dma_start3A_39 = arith.constant 0 : i32
        %dma_start3A_40 = tpu.memref_slice %arg2[%dma_start3A_38, %dma_start3A_39] : memref<10000x128xf32, #tpu.memory_space<hbm>> -> memref<10000x128xf32, #tpu.memory_space<hbm>>
        tpu.enqueue_indirect_dma source(%dma_start3A_40 : memref<10000x128xf32, #tpu.memory_space<hbm>>) target(%arg10 : memref<128x128xf32, #tpu.memory_space<vmem>>) offsets(%dma_start3A_37 : memref<128xi32, #tpu.memory_space<vmem>>) semaphore(%arg13 : memref<!tpu.dma_semaphore, #tpu.memory_space<semaphore_mem>>)
        %dma_wait3A = arith.constant 0 : i32
        %dma_wait3A_41 = tpu.memref_slice %arg7[%mul3A_32, %dma_wait3A] : memref<40x128xi32, #tpu.memory_space<vmem>> -> memref<1x128xi32, #tpu.memory_space<vmem>>
        %dma_wait3A_42 = tpu.memref_squeeze %dma_wait3A_41 : memref<1x128xi32, #tpu.memory_space<vmem>> -> memref<128xi32, #tpu.memory_space<vmem>>
        %dma_wait3A_43 = arith.constant 0 : i32
        %dma_wait3A_44 = arith.constant 0 : i32
        %dma_wait3A_45 = tpu.memref_slice %arg2[%dma_wait3A_43, %dma_wait3A_44] : memref<10000x128xf32, #tpu.memory_space<hbm>> -> memref<10000x128xf32, #tpu.memory_space<hbm>>
        tpu.wait_indirect_dma semaphore(%arg12 : memref<!tpu.dma_semaphore, #tpu.memory_space<semaphore_mem>>) src(%dma_wait3A_45 : memref<10000x128xf32, #tpu.memory_space<hbm>>) dst(%arg9 : memref<128x128xf32, #tpu.memory_space<vmem>>)
        "tpu.region"() ({
          %run_scoped3A = tpu.sem_alloc : memref<!tpu.dma_semaphore, #tpu.memory_space<semaphore_mem>>
          %dma_start3A_58 = arith.constant 0 : i32
          %dma_start3A_59 = tpu.memref_slice %arg8[%mul3A_32, %dma_start3A_58] : memref<40x128xi32, #tpu.memory_space<vmem>> -> memref<1x128xi32, #tpu.memory_space<vmem>>
          %dma_start3A_60 = tpu.memref_squeeze %dma_start3A_59 : memref<1x128xi32, #tpu.memory_space<vmem>> -> memref<128xi32, #tpu.memory_space<vmem>>
          %dma_start3A_61 = arith.constant 0 : i32
          %dma_start3A_62 = arith.constant 0 : i32
          %dma_start3A_63 = tpu.memref_slice %arg11[%dma_start3A_61, %dma_start3A_62] : memref<10112x128xf32, #tpu.memory_space<vmem_shared>> -> memref<10112x128xf32, #tpu.memory_space<vmem_shared>>
          tpu.enqueue_indirect_dma source(%arg9 : memref<128x128xf32, #tpu.memory_space<vmem>>) target(%dma_start3A_63 : memref<10112x128xf32, #tpu.memory_space<vmem_shared>>) offsets(%dma_start3A_60 : memref<128xi32, #tpu.memory_space<vmem>>) semaphore(%run_scoped3A : memref<!tpu.dma_semaphore, #tpu.memory_space<semaphore_mem>>) {add = true}
          %dma_wait3A_64 = arith.constant 0 : i32
          %dma_wait3A_65 = tpu.memref_slice %arg8[%mul3A_32, %dma_wait3A_64] : memref<40x128xi32, #tpu.memory_space<vmem>> -> memref<1x128xi32, #tpu.memory_space<vmem>>
          %dma_wait3A_66 = tpu.memref_squeeze %dma_wait3A_65 : memref<1x128xi32, #tpu.memory_space<vmem>> -> memref<128xi32, #tpu.memory_space<vmem>>
          %dma_wait3A_67 = arith.constant 0 : i32
          %dma_wait3A_68 = arith.constant 0 : i32
          %dma_wait3A_69 = tpu.memref_slice %arg11[%dma_wait3A_67, %dma_wait3A_68] : memref<10112x128xf32, #tpu.memory_space<vmem_shared>> -> memref<10112x128xf32, #tpu.memory_space<vmem_shared>>
          tpu.wait_indirect_dma semaphore(%run_scoped3A : memref<!tpu.dma_semaphore, #tpu.memory_space<semaphore_mem>>) src(%arg9 : memref<128x128xf32, #tpu.memory_space<vmem>>) dst(%dma_wait3A_69 : memref<10112x128xf32, #tpu.memory_space<vmem_shared>>)
          tpu.yield
        }) : () -> ()
        %lt3A = arith.constant 19 : i32
        %lt3A_46 = arith.cmpi slt, %scan3A_30, %lt3A : i32
        %convert_element_type3A = arith.extui %lt3A_46 : i1 to i32
        %cond3A = arith.constant 0 : i32
        %cond3A_47 = arith.cmpi ne, %convert_element_type3A, %cond3A : i32
        scf.if %cond3A_47 {
          %add3A_58 = arith.constant 2 : i32
          %add3A_59 = arith.addi %mul3A_32, %add3A_58 : i32
          %dma_start3A_60 = arith.constant 0 : i32
          %dma_start3A_61 = tpu.memref_slice %arg7[%add3A_59, %dma_start3A_60] : memref<40x128xi32, #tpu.memory_space<vmem>> -> memref<1x128xi32, #tpu.memory_space<vmem>>
          %dma_start3A_62 = tpu.memref_squeeze %dma_start3A_61 : memref<1x128xi32, #tpu.memory_space<vmem>> -> memref<128xi32, #tpu.memory_space<vmem>>
          %dma_start3A_63 = arith.constant 0 : i32
          %dma_start3A_64 = arith.constant 0 : i32
          %dma_start3A_65 = tpu.memref_slice %arg2[%dma_start3A_63, %dma_start3A_64] : memref<10000x128xf32, #tpu.memory_space<hbm>> -> memref<10000x128xf32, #tpu.memory_space<hbm>>
          tpu.enqueue_indirect_dma source(%dma_start3A_65 : memref<10000x128xf32, #tpu.memory_space<hbm>>) target(%arg9 : memref<128x128xf32, #tpu.memory_space<vmem>>) offsets(%dma_start3A_62 : memref<128xi32, #tpu.memory_space<vmem>>) semaphore(%arg12 : memref<!tpu.dma_semaphore, #tpu.memory_space<semaphore_mem>>)
        } else {
        }
        %add3A_48 = arith.constant 1 : i32
        %add3A_49 = arith.addi %mul3A_32, %add3A_48 : i32
        %dma_wait3A_50 = arith.constant 0 : i32
        %dma_wait3A_51 = tpu.memref_slice %arg7[%add3A_49, %dma_wait3A_50] : memref<40x128xi32, #tpu.memory_space<vmem>> -> memref<1x128xi32, #tpu.memory_space<vmem>>
        %dma_wait3A_52 = tpu.memref_squeeze %dma_wait3A_51 : memref<1x128xi32, #tpu.memory_space<vmem>> -> memref<128xi32, #tpu.memory_space<vmem>>
        %dma_wait3A_53 = arith.constant 0 : i32
        %dma_wait3A_54 = arith.constant 0 : i32
        %dma_wait3A_55 = tpu.memref_slice %arg2[%dma_wait3A_53, %dma_wait3A_54] : memref<10000x128xf32, #tpu.memory_space<hbm>> -> memref<10000x128xf32, #tpu.memory_space<hbm>>
        tpu.wait_indirect_dma semaphore(%arg13 : memref<!tpu.dma_semaphore, #tpu.memory_space<semaphore_mem>>) src(%dma_wait3A_55 : memref<10000x128xf32, #tpu.memory_space<hbm>>) dst(%arg10 : memref<128x128xf32, #tpu.memory_space<vmem>>)
        %add3A_56 = arith.constant 1 : i32
        %add3A_57 = arith.addi %mul3A_32, %add3A_56 : i32
        "tpu.region"() ({
          %run_scoped3A = tpu.sem_alloc : memref<!tpu.dma_semaphore, #tpu.memory_space<semaphore_mem>>
          %dma_start3A_58 = arith.constant 0 : i32
          %dma_start3A_59 = tpu.memref_slice %arg8[%add3A_57, %dma_start3A_58] : memref<40x128xi32, #tpu.memory_space<vmem>> -> memref<1x128xi32, #tpu.memory_space<vmem>>
          %dma_start3A_60 = tpu.memref_squeeze %dma_start3A_59 : memref<1x128xi32, #tpu.memory_space<vmem>> -> memref<128xi32, #tpu.memory_space<vmem>>
          %dma_start3A_61 = arith.constant 0 : i32
          %dma_start3A_62 = arith.constant 0 : i32
          %dma_start3A_63 = tpu.memref_slice %arg11[%dma_start3A_61, %dma_start3A_62] : memref<10112x128xf32, #tpu.memory_space<vmem_shared>> -> memref<10112x128xf32, #tpu.memory_space<vmem_shared>>
          tpu.enqueue_indirect_dma source(%arg10 : memref<128x128xf32, #tpu.memory_space<vmem>>) target(%dma_start3A_63 : memref<10112x128xf32, #tpu.memory_space<vmem_shared>>) offsets(%dma_start3A_60 : memref<128xi32, #tpu.memory_space<vmem>>) semaphore(%run_scoped3A : memref<!tpu.dma_semaphore, #tpu.memory_space<semaphore_mem>>) {add = true}
          %dma_wait3A_64 = arith.constant 0 : i32
          %dma_wait3A_65 = tpu.memref_slice %arg8[%add3A_57, %dma_wait3A_64] : memref<40x128xi32, #tpu.memory_space<vmem>> -> memref<1x128xi32, #tpu.memory_space<vmem>>
          %dma_wait3A_66 = tpu.memref_squeeze %dma_wait3A_65 : memref<1x128xi32, #tpu.memory_space<vmem>> -> memref<128xi32, #tpu.memory_space<vmem>>
          %dma_wait3A_67 = arith.constant 0 : i32
          %dma_wait3A_68 = arith.constant 0 : i32
          %dma_wait3A_69 = tpu.memref_slice %arg11[%dma_wait3A_67, %dma_wait3A_68] : memref<10112x128xf32, #tpu.memory_space<vmem_shared>> -> memref<10112x128xf32, #tpu.memory_space<vmem_shared>>
          tpu.wait_indirect_dma semaphore(%run_scoped3A : memref<!tpu.dma_semaphore, #tpu.memory_space<semaphore_mem>>) src(%arg10 : memref<128x128xf32, #tpu.memory_space<vmem>>) dst(%dma_wait3A_69 : memref<10112x128xf32, #tpu.memory_space<vmem_shared>>)
          tpu.yield
        }) : () -> ()
      }
      %scan3A_29 = arith.constant 20 : i32
    }
    %scan3A_12 = arith.constant 2 : i32
    %barrier3A_13 = arith.constant 0 : index
    tpu.barrier barrier_id(%barrier3A_13)
    "tpu.region"() ({
      %run_scoped3A = tpu.sem_alloc : memref<!tpu.dma_semaphore, #tpu.memory_space<semaphore_mem>>
      %dma_start3A = arith.constant 0 : i32
      %dma_start3A_14 = tpu.memref_slice %arg6[%arg0, %mul3A_0, %dma_start3A] : memref<2x10112x128xf32, #tpu.memory_space<hbm>> -> memref<1x632x128xf32, #tpu.memory_space<hbm>>
      %dma_start3A_15 = tpu.memref_squeeze %dma_start3A_14 : memref<1x632x128xf32, #tpu.memory_space<hbm>> -> memref<632x128xf32, #tpu.memory_space<hbm>>
      %dma_start3A_16 = arith.constant 0 : i32
      %dma_start3A_17 = tpu.memref_slice %arg11[%mul3A_0, %dma_start3A_16] : memref<10112x128xf32, #tpu.memory_space<vmem_shared>> -> memref<632x128xf32, #tpu.memory_space<vmem_shared>>
      tpu.enqueue_dma source(%dma_start3A_17 : memref<632x128xf32, #tpu.memory_space<vmem_shared>>) target(%dma_start3A_15 : memref<632x128xf32, #tpu.memory_space<hbm>>) target_semaphore(%run_scoped3A : memref<!tpu.dma_semaphore, #tpu.memory_space<semaphore_mem>>)
      %dma_wait3A = arith.constant 0 : i32
      %dma_wait3A_18 = tpu.memref_slice %arg6[%arg0, %mul3A_0, %dma_wait3A] : memref<2x10112x128xf32, #tpu.memory_space<hbm>> -> memref<1x632x128xf32, #tpu.memory_space<hbm>>
      %dma_wait3A_19 = tpu.memref_squeeze %dma_wait3A_18 : memref<1x632x128xf32, #tpu.memory_space<hbm>> -> memref<632x128xf32, #tpu.memory_space<hbm>>
      %dma_wait3A_20 = arith.constant 0 : i32
      %dma_wait3A_21 = tpu.memref_slice %arg11[%mul3A_0, %dma_wait3A_20] : memref<10112x128xf32, #tpu.memory_space<vmem_shared>> -> memref<632x128xf32, #tpu.memory_space<vmem_shared>>
      tpu.wait_dma2 semaphore(%run_scoped3A : memref<!tpu.dma_semaphore, #tpu.memory_space<semaphore_mem>>) src(%dma_wait3A_21 : memref<632x128xf32, #tpu.memory_space<vmem_shared>>) dst(%dma_wait3A_19 : memref<632x128xf32, #tpu.memory_space<hbm>>)
      tpu.yield
    }) : () -> ()
    return
  }
}

#map = affine_map<(d0, d1) -> (0, 0)>
#map1 = affine_map<(d0, d1) -> (0, 0, 0)>
module attributes {stable_mosaic.version = 14 : i64} {
  func.func @_agg_body(%arg0: i32, %arg1: i32, %arg2: memref<10000x128xf32, #tpu.memory_space<hbm>>, %arg3: memref<2560x128xi32, #tpu.memory_space<hbm>>, %arg4: memref<2560x128xi32, #tpu.memory_space<hbm>>, %arg5: memref<632x128xf32, #tpu.memory_space<hbm>>, %arg6: memref<2x10112x128xf32, #tpu.memory_space<hbm>>, %arg7: memref<40x128xi32, #tpu.memory_space<vmem>>, %arg8: memref<40x128xi32, #tpu.memory_space<vmem>>, %arg9: memref<128x128xf32, #tpu.memory_space<vmem>>, %arg10: memref<128x128xf32, #tpu.memory_space<vmem>>, %arg11: memref<10112x128xf32, #tpu.memory_space<vmem_shared>>, %arg12: memref<!tpu.dma_semaphore, #tpu.memory_space<semaphore_mem>>, %arg13: memref<!tpu.dma_semaphore, #tpu.memory_space<semaphore_mem>>) attributes {dimension_semantics = [#tpu.dimension_semantics<core_parallel>, #tpu.dimension_semantics<subcore_parallel>], iteration_bounds = array<i64: 2, 16>, scalar_prefetch = 0 : i64, scratch_operands = 7 : i64, tpu.core_type = #tpu.core_type<sc_vector_subcore>, window_params = [{transform_indices = #map}, {transform_indices = #map}, {transform_indices = #map}, {transform_indices = #map}, {transform_indices = #map1}]} {
    %mul3A = arith.constant 632 : i32
    %mul3A_0 = arith.muli %arg1, %mul3A : i32
    %sub3A = arith.constant 1 : i32
    %sub3A_1 = arith.subi %sub3A, %arg0 : i32
    %mul3A_2 = arith.constant 16 : i32
    %mul3A_3 = arith.muli %sub3A_1, %mul3A_2 : i32
    %mul3A_4 = arith.constant 80 : i32
    %mul3A_5 = arith.muli %mul3A_3, %mul3A_4 : i32
    %mul3A_6 = arith.constant 80 : i32
    %mul3A_7 = arith.muli %arg1, %mul3A_6 : i32
    %add3A = arith.addi %mul3A_5, %mul3A_7 : i32
    "tpu.region"() ({
      %run_scoped3A = tpu.sem_alloc : memref<!tpu.dma_semaphore, #tpu.memory_space<semaphore_mem>>
      %dma_start3A = arith.constant 0 : i32
      %dma_start3A_14 = tpu.memref_slice %arg11[%mul3A_0, %dma_start3A] : memref<10112x128xf32, #tpu.memory_space<vmem_shared>> -> memref<632x128xf32, #tpu.memory_space<vmem_shared>>
      tpu.enqueue_dma source(%arg5 : memref<632x128xf32, #tpu.memory_space<hbm>>) target(%dma_start3A_14 : memref<632x128xf32, #tpu.memory_space<vmem_shared>>) target_semaphore(%run_scoped3A : memref<!tpu.dma_semaphore, #tpu.memory_space<semaphore_mem>>)
      %dma_wait3A = arith.constant 0 : i32
      %dma_wait3A_15 = tpu.memref_slice %arg11[%mul3A_0, %dma_wait3A] : memref<10112x128xf32, #tpu.memory_space<vmem_shared>> -> memref<632x128xf32, #tpu.memory_space<vmem_shared>>
      tpu.wait_dma2 semaphore(%run_scoped3A : memref<!tpu.dma_semaphore, #tpu.memory_space<semaphore_mem>>) src(%arg5 : memref<632x128xf32, #tpu.memory_space<hbm>>) dst(%dma_wait3A_15 : memref<632x128xf32, #tpu.memory_space<vmem_shared>>)
      tpu.yield
    }) : () -> ()
    %barrier3A = arith.constant 0 : index
    tpu.barrier barrier_id(%barrier3A)
    %scan3A = arith.constant 0 : i32
    %scan3A_8 = arith.constant 0 : i32
    %scan3A_9 = arith.constant 2 : i32
    %scan3A_10 = arith.addi %scan3A_8, %scan3A_9 : i32
    %scan3A_11 = arith.constant 1 : i32
    scf.for %scan3A_14 = %scan3A_8 to %scan3A_10 step %scan3A_11  : i32 {
      %mul3A_15 = arith.constant 40 : i32
      %mul3A_16 = arith.muli %scan3A_14, %mul3A_15 : i32
      %add3A_17 = arith.addi %add3A, %mul3A_16 : i32
      "tpu.region"() ({
        %run_scoped3A = tpu.sem_alloc : memref<!tpu.dma_semaphore, #tpu.memory_space<semaphore_mem>>
        %dma_start3A_30 = arith.constant 0 : i32
        %dma_start3A_31 = tpu.memref_slice %arg3[%add3A_17, %dma_start3A_30] : memref<2560x128xi32, #tpu.memory_space<hbm>> -> memref<40x128xi32, #tpu.memory_space<hbm>>
        %dma_start3A_32 = arith.constant 0 : i32
        %dma_start3A_33 = tpu.memref_slice %arg3[%add3A_17, %dma_start3A_32] : memref<2560x128xi32, #tpu.memory_space<hbm>> -> memref<40x128xi32, #tpu.memory_space<hbm>>
        tpu.enqueue_dma source(%dma_start3A_33 : memref<40x128xi32, #tpu.memory_space<hbm>>) target(%arg7 : memref<40x128xi32, #tpu.memory_space<vmem>>) target_semaphore(%run_scoped3A : memref<!tpu.dma_semaphore, #tpu.memory_space<semaphore_mem>>)
        %dma_wait3A = arith.constant 0 : i32
        %dma_wait3A_34 = tpu.memref_slice %arg3[%add3A_17, %dma_wait3A] : memref<2560x128xi32, #tpu.memory_space<hbm>> -> memref<40x128xi32, #tpu.memory_space<hbm>>
        %dma_wait3A_35 = arith.constant 0 : i32
        %dma_wait3A_36 = tpu.memref_slice %arg3[%add3A_17, %dma_wait3A_35] : memref<2560x128xi32, #tpu.memory_space<hbm>> -> memref<40x128xi32, #tpu.memory_space<hbm>>
        tpu.wait_dma2 semaphore(%run_scoped3A : memref<!tpu.dma_semaphore, #tpu.memory_space<semaphore_mem>>) src(%dma_wait3A_36 : memref<40x128xi32, #tpu.memory_space<hbm>>) dst(%arg7 : memref<40x128xi32, #tpu.memory_space<vmem>>)
        tpu.yield
      }) : () -> ()
      "tpu.region"() ({
        %run_scoped3A = tpu.sem_alloc : memref<!tpu.dma_semaphore, #tpu.memory_space<semaphore_mem>>
        %dma_start3A_30 = arith.constant 0 : i32
        %dma_start3A_31 = tpu.memref_slice %arg4[%add3A_17, %dma_start3A_30] : memref<2560x128xi32, #tpu.memory_space<hbm>> -> memref<40x128xi32, #tpu.memory_space<hbm>>
        %dma_start3A_32 = arith.constant 0 : i32
        %dma_start3A_33 = tpu.memref_slice %arg4[%add3A_17, %dma_start3A_32] : memref<2560x128xi32, #tpu.memory_space<hbm>> -> memref<40x128xi32, #tpu.memory_space<hbm>>
        tpu.enqueue_dma source(%dma_start3A_33 : memref<40x128xi32, #tpu.memory_space<hbm>>) target(%arg8 : memref<40x128xi32, #tpu.memory_space<vmem>>) target_semaphore(%run_scoped3A : memref<!tpu.dma_semaphore, #tpu.memory_space<semaphore_mem>>)
        %dma_wait3A = arith.constant 0 : i32
        %dma_wait3A_34 = tpu.memref_slice %arg4[%add3A_17, %dma_wait3A] : memref<2560x128xi32, #tpu.memory_space<hbm>> -> memref<40x128xi32, #tpu.memory_space<hbm>>
        %dma_wait3A_35 = arith.constant 0 : i32
        %dma_wait3A_36 = tpu.memref_slice %arg4[%add3A_17, %dma_wait3A_35] : memref<2560x128xi32, #tpu.memory_space<hbm>> -> memref<40x128xi32, #tpu.memory_space<hbm>>
        tpu.wait_dma2 semaphore(%run_scoped3A : memref<!tpu.dma_semaphore, #tpu.memory_space<semaphore_mem>>) src(%dma_wait3A_36 : memref<40x128xi32, #tpu.memory_space<hbm>>) dst(%arg8 : memref<40x128xi32, #tpu.memory_space<vmem>>)
        tpu.yield
      }) : () -> ()
      %dma_start3A = arith.constant 0 : i32
      %dma_start3A_18 = arith.constant 0 : i32
      %dma_start3A_19 = tpu.memref_slice %arg7[%dma_start3A, %dma_start3A_18] : memref<40x128xi32, #tpu.memory_space<vmem>> -> memref<1x128xi32, #tpu.memory_space<vmem>>
      %dma_start3A_20 = tpu.memref_squeeze %dma_start3A_19 : memref<1x128xi32, #tpu.memory_space<vmem>> -> memref<128xi32, #tpu.memory_space<vmem>>
      %dma_start3A_21 = arith.constant 0 : i32
      %dma_start3A_22 = arith.constant 0 : i32
      %dma_start3A_23 = tpu.memref_slice %arg2[%dma_start3A_21, %dma_start3A_22] : memref<10000x128xf32, #tpu.memory_space<hbm>> -> memref<10000x128xf32, #tpu.memory_space<hbm>>
      tpu.enqueue_indirect_dma source(%dma_start3A_23 : memref<10000x128xf32, #tpu.memory_space<hbm>>) target(%arg9 : memref<128x128xf32, #tpu.memory_space<vmem>>) offsets(%dma_start3A_20 : memref<128xi32, #tpu.memory_space<vmem>>) semaphore(%arg12 : memref<!tpu.dma_semaphore, #tpu.memory_space<semaphore_mem>>)
      %scan3A_24 = arith.constant 0 : i32
      %scan3A_25 = arith.constant 0 : i32
      %scan3A_26 = arith.constant 20 : i32
      %scan3A_27 = arith.addi %scan3A_25, %scan3A_26 : i32
      %scan3A_28 = arith.constant 1 : i32
      scf.for %scan3A_30 = %scan3A_25 to %scan3A_27 step %scan3A_28  : i32 {
        %mul3A_31 = arith.constant 2 : i32
        %mul3A_32 = arith.muli %mul3A_31, %scan3A_30 : i32
        %add3A_33 = arith.constant 1 : i32
        %add3A_34 = arith.addi %mul3A_32, %add3A_33 : i32
        %dma_start3A_35 = arith.constant 0 : i32
        %dma_start3A_36 = tpu.memref_slice %arg7[%add3A_34, %dma_start3A_35] : memref<40x128xi32, #tpu.memory_space<vmem>> -> memref<1x128xi32, #tpu.memory_space<vmem>>
        %dma_start3A_37 = tpu.memref_squeeze %dma_start3A_36 : memref<1x128xi32, #tpu.memory_space<vmem>> -> memref<128xi32, #tpu.memory_space<vmem>>
        %dma_start3A_38 = arith.constant 0 : i32
        %dma_start3A_39 = arith.constant 0 : i32
        %dma_start3A_40 = tpu.memref_slice %arg2[%dma_start3A_38, %dma_start3A_39] : memref<10000x128xf32, #tpu.memory_space<hbm>> -> memref<10000x128xf32, #tpu.memory_space<hbm>>
        tpu.enqueue_indirect_dma source(%dma_start3A_40 : memref<10000x128xf32, #tpu.memory_space<hbm>>) target(%arg10 : memref<128x128xf32, #tpu.memory_space<vmem>>) offsets(%dma_start3A_37 : memref<128xi32, #tpu.memory_space<vmem>>) semaphore(%arg13 : memref<!tpu.dma_semaphore, #tpu.memory_space<semaphore_mem>>)
        %dma_wait3A = arith.constant 0 : i32
        %dma_wait3A_41 = tpu.memref_slice %arg7[%mul3A_32, %dma_wait3A] : memref<40x128xi32, #tpu.memory_space<vmem>> -> memref<1x128xi32, #tpu.memory_space<vmem>>
        %dma_wait3A_42 = tpu.memref_squeeze %dma_wait3A_41 : memref<1x128xi32, #tpu.memory_space<vmem>> -> memref<128xi32, #tpu.memory_space<vmem>>
        %dma_wait3A_43 = arith.constant 0 : i32
        %dma_wait3A_44 = arith.constant 0 : i32
        %dma_wait3A_45 = tpu.memref_slice %arg2[%dma_wait3A_43, %dma_wait3A_44] : memref<10000x128xf32, #tpu.memory_space<hbm>> -> memref<10000x128xf32, #tpu.memory_space<hbm>>
        tpu.wait_indirect_dma semaphore(%arg12 : memref<!tpu.dma_semaphore, #tpu.memory_space<semaphore_mem>>) src(%dma_wait3A_45 : memref<10000x128xf32, #tpu.memory_space<hbm>>) dst(%arg9 : memref<128x128xf32, #tpu.memory_space<vmem>>)
        "tpu.region"() ({
          %run_scoped3A = tpu.sem_alloc : memref<!tpu.dma_semaphore, #tpu.memory_space<semaphore_mem>>
          %dma_start3A_58 = arith.constant 0 : i32
          %dma_start3A_59 = tpu.memref_slice %arg8[%mul3A_32, %dma_start3A_58] : memref<40x128xi32, #tpu.memory_space<vmem>> -> memref<1x128xi32, #tpu.memory_space<vmem>>
          %dma_start3A_60 = tpu.memref_squeeze %dma_start3A_59 : memref<1x128xi32, #tpu.memory_space<vmem>> -> memref<128xi32, #tpu.memory_space<vmem>>
          %dma_start3A_61 = arith.constant 0 : i32
          %dma_start3A_62 = arith.constant 0 : i32
          %dma_start3A_63 = tpu.memref_slice %arg11[%dma_start3A_61, %dma_start3A_62] : memref<10112x128xf32, #tpu.memory_space<vmem_shared>> -> memref<10112x128xf32, #tpu.memory_space<vmem_shared>>
          tpu.enqueue_indirect_dma source(%arg9 : memref<128x128xf32, #tpu.memory_space<vmem>>) target(%dma_start3A_63 : memref<10112x128xf32, #tpu.memory_space<vmem_shared>>) offsets(%dma_start3A_60 : memref<128xi32, #tpu.memory_space<vmem>>) semaphore(%run_scoped3A : memref<!tpu.dma_semaphore, #tpu.memory_space<semaphore_mem>>) {add = true}
          %dma_wait3A_64 = arith.constant 0 : i32
          %dma_wait3A_65 = tpu.memref_slice %arg8[%mul3A_32, %dma_wait3A_64] : memref<40x128xi32, #tpu.memory_space<vmem>> -> memref<1x128xi32, #tpu.memory_space<vmem>>
          %dma_wait3A_66 = tpu.memref_squeeze %dma_wait3A_65 : memref<1x128xi32, #tpu.memory_space<vmem>> -> memref<128xi32, #tpu.memory_space<vmem>>
          %dma_wait3A_67 = arith.constant 0 : i32
          %dma_wait3A_68 = arith.constant 0 : i32
          %dma_wait3A_69 = tpu.memref_slice %arg11[%dma_wait3A_67, %dma_wait3A_68] : memref<10112x128xf32, #tpu.memory_space<vmem_shared>> -> memref<10112x128xf32, #tpu.memory_space<vmem_shared>>
          tpu.wait_indirect_dma semaphore(%run_scoped3A : memref<!tpu.dma_semaphore, #tpu.memory_space<semaphore_mem>>) src(%arg9 : memref<128x128xf32, #tpu.memory_space<vmem>>) dst(%dma_wait3A_69 : memref<10112x128xf32, #tpu.memory_space<vmem_shared>>)
          tpu.yield
        }) : () -> ()
        %lt3A = arith.constant 19 : i32
        %lt3A_46 = arith.cmpi slt, %scan3A_30, %lt3A : i32
        %convert_element_type3A = arith.extui %lt3A_46 : i1 to i32
        %cond3A = arith.constant 0 : i32
        %cond3A_47 = arith.cmpi ne, %convert_element_type3A, %cond3A : i32
        scf.if %cond3A_47 {
          %add3A_58 = arith.constant 2 : i32
          %add3A_59 = arith.addi %mul3A_32, %add3A_58 : i32
          %dma_start3A_60 = arith.constant 0 : i32
          %dma_start3A_61 = tpu.memref_slice %arg7[%add3A_59, %dma_start3A_60] : memref<40x128xi32, #tpu.memory_space<vmem>> -> memref<1x128xi32, #tpu.memory_space<vmem>>
          %dma_start3A_62 = tpu.memref_squeeze %dma_start3A_61 : memref<1x128xi32, #tpu.memory_space<vmem>> -> memref<128xi32, #tpu.memory_space<vmem>>
          %dma_start3A_63 = arith.constant 0 : i32
          %dma_start3A_64 = arith.constant 0 : i32
          %dma_start3A_65 = tpu.memref_slice %arg2[%dma_start3A_63, %dma_start3A_64] : memref<10000x128xf32, #tpu.memory_space<hbm>> -> memref<10000x128xf32, #tpu.memory_space<hbm>>
          tpu.enqueue_indirect_dma source(%dma_start3A_65 : memref<10000x128xf32, #tpu.memory_space<hbm>>) target(%arg9 : memref<128x128xf32, #tpu.memory_space<vmem>>) offsets(%dma_start3A_62 : memref<128xi32, #tpu.memory_space<vmem>>) semaphore(%arg12 : memref<!tpu.dma_semaphore, #tpu.memory_space<semaphore_mem>>)
        } else {
        }
        %add3A_48 = arith.constant 1 : i32
        %add3A_49 = arith.addi %mul3A_32, %add3A_48 : i32
        %dma_wait3A_50 = arith.constant 0 : i32
        %dma_wait3A_51 = tpu.memref_slice %arg7[%add3A_49, %dma_wait3A_50] : memref<40x128xi32, #tpu.memory_space<vmem>> -> memref<1x128xi32, #tpu.memory_space<vmem>>
        %dma_wait3A_52 = tpu.memref_squeeze %dma_wait3A_51 : memref<1x128xi32, #tpu.memory_space<vmem>> -> memref<128xi32, #tpu.memory_space<vmem>>
        %dma_wait3A_53 = arith.constant 0 : i32
        %dma_wait3A_54 = arith.constant 0 : i32
        %dma_wait3A_55 = tpu.memref_slice %arg2[%dma_wait3A_53, %dma_wait3A_54] : memref<10000x128xf32, #tpu.memory_space<hbm>> -> memref<10000x128xf32, #tpu.memory_space<hbm>>
        tpu.wait_indirect_dma semaphore(%arg13 : memref<!tpu.dma_semaphore, #tpu.memory_space<semaphore_mem>>) src(%dma_wait3A_55 : memref<10000x128xf32, #tpu.memory_space<hbm>>) dst(%arg10 : memref<128x128xf32, #tpu.memory_space<vmem>>)
        %add3A_56 = arith.constant 1 : i32
        %add3A_57 = arith.addi %mul3A_32, %add3A_56 : i32
        "tpu.region"() ({
          %run_scoped3A = tpu.sem_alloc : memref<!tpu.dma_semaphore, #tpu.memory_space<semaphore_mem>>
          %dma_start3A_58 = arith.constant 0 : i32
          %dma_start3A_59 = tpu.memref_slice %arg8[%add3A_57, %dma_start3A_58] : memref<40x128xi32, #tpu.memory_space<vmem>> -> memref<1x128xi32, #tpu.memory_space<vmem>>
          %dma_start3A_60 = tpu.memref_squeeze %dma_start3A_59 : memref<1x128xi32, #tpu.memory_space<vmem>> -> memref<128xi32, #tpu.memory_space<vmem>>
          %dma_start3A_61 = arith.constant 0 : i32
          %dma_start3A_62 = arith.constant 0 : i32
          %dma_start3A_63 = tpu.memref_slice %arg11[%dma_start3A_61, %dma_start3A_62] : memref<10112x128xf32, #tpu.memory_space<vmem_shared>> -> memref<10112x128xf32, #tpu.memory_space<vmem_shared>>
          tpu.enqueue_indirect_dma source(%arg10 : memref<128x128xf32, #tpu.memory_space<vmem>>) target(%dma_start3A_63 : memref<10112x128xf32, #tpu.memory_space<vmem_shared>>) offsets(%dma_start3A_60 : memref<128xi32, #tpu.memory_space<vmem>>) semaphore(%run_scoped3A : memref<!tpu.dma_semaphore, #tpu.memory_space<semaphore_mem>>) {add = true}
          %dma_wait3A_64 = arith.constant 0 : i32
          %dma_wait3A_65 = tpu.memref_slice %arg8[%add3A_57, %dma_wait3A_64] : memref<40x128xi32, #tpu.memory_space<vmem>> -> memref<1x128xi32, #tpu.memory_space<vmem>>
          %dma_wait3A_66 = tpu.memref_squeeze %dma_wait3A_65 : memref<1x128xi32, #tpu.memory_space<vmem>> -> memref<128xi32, #tpu.memory_space<vmem>>
          %dma_wait3A_67 = arith.constant 0 : i32
          %dma_wait3A_68 = arith.constant 0 : i32
          %dma_wait3A_69 = tpu.memref_slice %arg11[%dma_wait3A_67, %dma_wait3A_68] : memref<10112x128xf32, #tpu.memory_space<vmem_shared>> -> memref<10112x128xf32, #tpu.memory_space<vmem_shared>>
          tpu.wait_indirect_dma semaphore(%run_scoped3A : memref<!tpu.dma_semaphore, #tpu.memory_space<semaphore_mem>>) src(%arg10 : memref<128x128xf32, #tpu.memory_space<vmem>>) dst(%dma_wait3A_69 : memref<10112x128xf32, #tpu.memory_space<vmem_shared>>)
          tpu.yield
        }) : () -> ()
      }
      %scan3A_29 = arith.constant 20 : i32
    }
    %scan3A_12 = arith.constant 2 : i32
    %barrier3A_13 = arith.constant 0 : index
    tpu.barrier barrier_id(%barrier3A_13)
    "tpu.region"() ({
      %run_scoped3A = tpu.sem_alloc : memref<!tpu.dma_semaphore, #tpu.memory_space<semaphore_mem>>
      %dma_start3A = arith.constant 0 : i32
      %dma_start3A_14 = tpu.memref_slice %arg6[%arg0, %mul3A_0, %dma_start3A] : memref<2x10112x128xf32, #tpu.memory_space<hbm>> -> memref<1x632x128xf32, #tpu.memory_space<hbm>>
      %dma_start3A_15 = tpu.memref_squeeze %dma_start3A_14 : memref<1x632x128xf32, #tpu.memory_space<hbm>> -> memref<632x128xf32, #tpu.memory_space<hbm>>
      %dma_start3A_16 = arith.constant 0 : i32
      %dma_start3A_17 = tpu.memref_slice %arg11[%mul3A_0, %dma_start3A_16] : memref<10112x128xf32, #tpu.memory_space<vmem_shared>> -> memref<632x128xf32, #tpu.memory_space<vmem_shared>>
      tpu.enqueue_dma source(%dma_start3A_17 : memref<632x128xf32, #tpu.memory_space<vmem_shared>>) target(%dma_start3A_15 : memref<632x128xf32, #tpu.memory_space<hbm>>) target_semaphore(%run_scoped3A : memref<!tpu.dma_semaphore, #tpu.memory_space<semaphore_mem>>)
      %dma_wait3A = arith.constant 0 : i32
      %dma_wait3A_18 = tpu.memref_slice %arg6[%arg0, %mul3A_0, %dma_wait3A] : memref<2x10112x128xf32, #tpu.memory_space<hbm>> -> memref<1x632x128xf32, #tpu.memory_space<hbm>>
      %dma_wait3A_19 = tpu.memref_squeeze %dma_wait3A_18 : memref<1x632x128xf32, #tpu.memory_space<hbm>> -> memref<632x128xf32, #tpu.memory_space<hbm>>
      %dma_wait3A_20 = arith.constant 0 : i32
      %dma_wait3A_21 = tpu.memref_slice %arg11[%mul3A_0, %dma_wait3A_20] : memref<10112x128xf32, #tpu.memory_space<vmem_shared>> -> memref<632x128xf32, #tpu.memory_space<vmem_shared>>
      tpu.wait_dma2 semaphore(%run_scoped3A : memref<!tpu.dma_semaphore, #tpu.memory_space<semaphore_mem>>) src(%dma_wait3A_21 : memref<632x128xf32, #tpu.memory_space<vmem_shared>>) dst(%dma_wait3A_19 : memref<632x128xf32, #tpu.memory_space<hbm>>)
      tpu.yield
    }) : () -> ()
    return
  }
}

#map = affine_map<(d0, d1) -> (0, 0)>
#map1 = affine_map<(d0, d1) -> (0, 0, 0)>
module attributes {stable_mosaic.version = 14 : i64} {
  func.func @_agg_body(%arg0: i32, %arg1: i32, %arg2: memref<10000x128xf32, #tpu.memory_space<hbm>>, %arg3: memref<2560x128xi32, #tpu.memory_space<hbm>>, %arg4: memref<2560x128xi32, #tpu.memory_space<hbm>>, %arg5: memref<632x128xf32, #tpu.memory_space<hbm>>, %arg6: memref<2x10112x128xf32, #tpu.memory_space<hbm>>, %arg7: memref<40x128xi32, #tpu.memory_space<vmem>>, %arg8: memref<40x128xi32, #tpu.memory_space<vmem>>, %arg9: memref<128x128xf32, #tpu.memory_space<vmem>>, %arg10: memref<128x128xf32, #tpu.memory_space<vmem>>, %arg11: memref<10112x128xf32, #tpu.memory_space<vmem_shared>>, %arg12: memref<!tpu.dma_semaphore, #tpu.memory_space<semaphore_mem>>, %arg13: memref<!tpu.dma_semaphore, #tpu.memory_space<semaphore_mem>>) attributes {dimension_semantics = [#tpu.dimension_semantics<core_parallel>, #tpu.dimension_semantics<subcore_parallel>], iteration_bounds = array<i64: 2, 16>, scalar_prefetch = 0 : i64, scratch_operands = 7 : i64, tpu.core_type = #tpu.core_type<sc_vector_subcore>, window_params = [{transform_indices = #map}, {transform_indices = #map}, {transform_indices = #map}, {transform_indices = #map}, {transform_indices = #map1}]} {
    %mul3A = arith.constant 632 : i32
    %mul3A_0 = arith.muli %arg1, %mul3A : i32
    %sub3A = arith.constant 1 : i32
    %sub3A_1 = arith.subi %sub3A, %arg0 : i32
    %mul3A_2 = arith.constant 16 : i32
    %mul3A_3 = arith.muli %sub3A_1, %mul3A_2 : i32
    %mul3A_4 = arith.constant 80 : i32
    %mul3A_5 = arith.muli %mul3A_3, %mul3A_4 : i32
    %mul3A_6 = arith.constant 80 : i32
    %mul3A_7 = arith.muli %arg1, %mul3A_6 : i32
    %add3A = arith.addi %mul3A_5, %mul3A_7 : i32
    "tpu.region"() ({
      %run_scoped3A = tpu.sem_alloc : memref<!tpu.dma_semaphore, #tpu.memory_space<semaphore_mem>>
      %dma_start3A = arith.constant 0 : i32
      %dma_start3A_14 = tpu.memref_slice %arg11[%mul3A_0, %dma_start3A] : memref<10112x128xf32, #tpu.memory_space<vmem_shared>> -> memref<632x128xf32, #tpu.memory_space<vmem_shared>>
      tpu.enqueue_dma source(%arg5 : memref<632x128xf32, #tpu.memory_space<hbm>>) target(%dma_start3A_14 : memref<632x128xf32, #tpu.memory_space<vmem_shared>>) target_semaphore(%run_scoped3A : memref<!tpu.dma_semaphore, #tpu.memory_space<semaphore_mem>>)
      %dma_wait3A = arith.constant 0 : i32
      %dma_wait3A_15 = tpu.memref_slice %arg11[%mul3A_0, %dma_wait3A] : memref<10112x128xf32, #tpu.memory_space<vmem_shared>> -> memref<632x128xf32, #tpu.memory_space<vmem_shared>>
      tpu.wait_dma2 semaphore(%run_scoped3A : memref<!tpu.dma_semaphore, #tpu.memory_space<semaphore_mem>>) src(%arg5 : memref<632x128xf32, #tpu.memory_space<hbm>>) dst(%dma_wait3A_15 : memref<632x128xf32, #tpu.memory_space<vmem_shared>>)
      tpu.yield
    }) : () -> ()
    %barrier3A = arith.constant 0 : index
    tpu.barrier barrier_id(%barrier3A)
    %scan3A = arith.constant 0 : i32
    %scan3A_8 = arith.constant 0 : i32
    %scan3A_9 = arith.constant 2 : i32
    %scan3A_10 = arith.addi %scan3A_8, %scan3A_9 : i32
    %scan3A_11 = arith.constant 1 : i32
    scf.for %scan3A_14 = %scan3A_8 to %scan3A_10 step %scan3A_11  : i32 {
      %mul3A_15 = arith.constant 40 : i32
      %mul3A_16 = arith.muli %scan3A_14, %mul3A_15 : i32
      %add3A_17 = arith.addi %add3A, %mul3A_16 : i32
      "tpu.region"() ({
        %run_scoped3A = tpu.sem_alloc : memref<!tpu.dma_semaphore, #tpu.memory_space<semaphore_mem>>
        %dma_start3A_30 = arith.constant 0 : i32
        %dma_start3A_31 = tpu.memref_slice %arg3[%add3A_17, %dma_start3A_30] : memref<2560x128xi32, #tpu.memory_space<hbm>> -> memref<40x128xi32, #tpu.memory_space<hbm>>
        %dma_start3A_32 = arith.constant 0 : i32
        %dma_start3A_33 = tpu.memref_slice %arg3[%add3A_17, %dma_start3A_32] : memref<2560x128xi32, #tpu.memory_space<hbm>> -> memref<40x128xi32, #tpu.memory_space<hbm>>
        tpu.enqueue_dma source(%dma_start3A_33 : memref<40x128xi32, #tpu.memory_space<hbm>>) target(%arg7 : memref<40x128xi32, #tpu.memory_space<vmem>>) target_semaphore(%run_scoped3A : memref<!tpu.dma_semaphore, #tpu.memory_space<semaphore_mem>>)
        %dma_wait3A = arith.constant 0 : i32
        %dma_wait3A_34 = tpu.memref_slice %arg3[%add3A_17, %dma_wait3A] : memref<2560x128xi32, #tpu.memory_space<hbm>> -> memref<40x128xi32, #tpu.memory_space<hbm>>
        %dma_wait3A_35 = arith.constant 0 : i32
        %dma_wait3A_36 = tpu.memref_slice %arg3[%add3A_17, %dma_wait3A_35] : memref<2560x128xi32, #tpu.memory_space<hbm>> -> memref<40x128xi32, #tpu.memory_space<hbm>>
        tpu.wait_dma2 semaphore(%run_scoped3A : memref<!tpu.dma_semaphore, #tpu.memory_space<semaphore_mem>>) src(%dma_wait3A_36 : memref<40x128xi32, #tpu.memory_space<hbm>>) dst(%arg7 : memref<40x128xi32, #tpu.memory_space<vmem>>)
        tpu.yield
      }) : () -> ()
      "tpu.region"() ({
        %run_scoped3A = tpu.sem_alloc : memref<!tpu.dma_semaphore, #tpu.memory_space<semaphore_mem>>
        %dma_start3A_30 = arith.constant 0 : i32
        %dma_start3A_31 = tpu.memref_slice %arg4[%add3A_17, %dma_start3A_30] : memref<2560x128xi32, #tpu.memory_space<hbm>> -> memref<40x128xi32, #tpu.memory_space<hbm>>
        %dma_start3A_32 = arith.constant 0 : i32
        %dma_start3A_33 = tpu.memref_slice %arg4[%add3A_17, %dma_start3A_32] : memref<2560x128xi32, #tpu.memory_space<hbm>> -> memref<40x128xi32, #tpu.memory_space<hbm>>
        tpu.enqueue_dma source(%dma_start3A_33 : memref<40x128xi32, #tpu.memory_space<hbm>>) target(%arg8 : memref<40x128xi32, #tpu.memory_space<vmem>>) target_semaphore(%run_scoped3A : memref<!tpu.dma_semaphore, #tpu.memory_space<semaphore_mem>>)
        %dma_wait3A = arith.constant 0 : i32
        %dma_wait3A_34 = tpu.memref_slice %arg4[%add3A_17, %dma_wait3A] : memref<2560x128xi32, #tpu.memory_space<hbm>> -> memref<40x128xi32, #tpu.memory_space<hbm>>
        %dma_wait3A_35 = arith.constant 0 : i32
        %dma_wait3A_36 = tpu.memref_slice %arg4[%add3A_17, %dma_wait3A_35] : memref<2560x128xi32, #tpu.memory_space<hbm>> -> memref<40x128xi32, #tpu.memory_space<hbm>>
        tpu.wait_dma2 semaphore(%run_scoped3A : memref<!tpu.dma_semaphore, #tpu.memory_space<semaphore_mem>>) src(%dma_wait3A_36 : memref<40x128xi32, #tpu.memory_space<hbm>>) dst(%arg8 : memref<40x128xi32, #tpu.memory_space<vmem>>)
        tpu.yield
      }) : () -> ()
      %dma_start3A = arith.constant 0 : i32
      %dma_start3A_18 = arith.constant 0 : i32
      %dma_start3A_19 = tpu.memref_slice %arg7[%dma_start3A, %dma_start3A_18] : memref<40x128xi32, #tpu.memory_space<vmem>> -> memref<1x128xi32, #tpu.memory_space<vmem>>
      %dma_start3A_20 = tpu.memref_squeeze %dma_start3A_19 : memref<1x128xi32, #tpu.memory_space<vmem>> -> memref<128xi32, #tpu.memory_space<vmem>>
      %dma_start3A_21 = arith.constant 0 : i32
      %dma_start3A_22 = arith.constant 0 : i32
      %dma_start3A_23 = tpu.memref_slice %arg2[%dma_start3A_21, %dma_start3A_22] : memref<10000x128xf32, #tpu.memory_space<hbm>> -> memref<10000x128xf32, #tpu.memory_space<hbm>>
      tpu.enqueue_indirect_dma source(%dma_start3A_23 : memref<10000x128xf32, #tpu.memory_space<hbm>>) target(%arg9 : memref<128x128xf32, #tpu.memory_space<vmem>>) offsets(%dma_start3A_20 : memref<128xi32, #tpu.memory_space<vmem>>) semaphore(%arg12 : memref<!tpu.dma_semaphore, #tpu.memory_space<semaphore_mem>>)
      %scan3A_24 = arith.constant 0 : i32
      %scan3A_25 = arith.constant 0 : i32
      %scan3A_26 = arith.constant 20 : i32
      %scan3A_27 = arith.addi %scan3A_25, %scan3A_26 : i32
      %scan3A_28 = arith.constant 1 : i32
      scf.for %scan3A_30 = %scan3A_25 to %scan3A_27 step %scan3A_28  : i32 {
        %mul3A_31 = arith.constant 2 : i32
        %mul3A_32 = arith.muli %mul3A_31, %scan3A_30 : i32
        %add3A_33 = arith.constant 1 : i32
        %add3A_34 = arith.addi %mul3A_32, %add3A_33 : i32
        %dma_start3A_35 = arith.constant 0 : i32
        %dma_start3A_36 = tpu.memref_slice %arg7[%add3A_34, %dma_start3A_35] : memref<40x128xi32, #tpu.memory_space<vmem>> -> memref<1x128xi32, #tpu.memory_space<vmem>>
        %dma_start3A_37 = tpu.memref_squeeze %dma_start3A_36 : memref<1x128xi32, #tpu.memory_space<vmem>> -> memref<128xi32, #tpu.memory_space<vmem>>
        %dma_start3A_38 = arith.constant 0 : i32
        %dma_start3A_39 = arith.constant 0 : i32
        %dma_start3A_40 = tpu.memref_slice %arg2[%dma_start3A_38, %dma_start3A_39] : memref<10000x128xf32, #tpu.memory_space<hbm>> -> memref<10000x128xf32, #tpu.memory_space<hbm>>
        tpu.enqueue_indirect_dma source(%dma_start3A_40 : memref<10000x128xf32, #tpu.memory_space<hbm>>) target(%arg10 : memref<128x128xf32, #tpu.memory_space<vmem>>) offsets(%dma_start3A_37 : memref<128xi32, #tpu.memory_space<vmem>>) semaphore(%arg13 : memref<!tpu.dma_semaphore, #tpu.memory_space<semaphore_mem>>)
        %dma_wait3A = arith.constant 0 : i32
        %dma_wait3A_41 = tpu.memref_slice %arg7[%mul3A_32, %dma_wait3A] : memref<40x128xi32, #tpu.memory_space<vmem>> -> memref<1x128xi32, #tpu.memory_space<vmem>>
        %dma_wait3A_42 = tpu.memref_squeeze %dma_wait3A_41 : memref<1x128xi32, #tpu.memory_space<vmem>> -> memref<128xi32, #tpu.memory_space<vmem>>
        %dma_wait3A_43 = arith.constant 0 : i32
        %dma_wait3A_44 = arith.constant 0 : i32
        %dma_wait3A_45 = tpu.memref_slice %arg2[%dma_wait3A_43, %dma_wait3A_44] : memref<10000x128xf32, #tpu.memory_space<hbm>> -> memref<10000x128xf32, #tpu.memory_space<hbm>>
        tpu.wait_indirect_dma semaphore(%arg12 : memref<!tpu.dma_semaphore, #tpu.memory_space<semaphore_mem>>) src(%dma_wait3A_45 : memref<10000x128xf32, #tpu.memory_space<hbm>>) dst(%arg9 : memref<128x128xf32, #tpu.memory_space<vmem>>)
        "tpu.region"() ({
          %run_scoped3A = tpu.sem_alloc : memref<!tpu.dma_semaphore, #tpu.memory_space<semaphore_mem>>
          %dma_start3A_58 = arith.constant 0 : i32
          %dma_start3A_59 = tpu.memref_slice %arg8[%mul3A_32, %dma_start3A_58] : memref<40x128xi32, #tpu.memory_space<vmem>> -> memref<1x128xi32, #tpu.memory_space<vmem>>
          %dma_start3A_60 = tpu.memref_squeeze %dma_start3A_59 : memref<1x128xi32, #tpu.memory_space<vmem>> -> memref<128xi32, #tpu.memory_space<vmem>>
          %dma_start3A_61 = arith.constant 0 : i32
          %dma_start3A_62 = arith.constant 0 : i32
          %dma_start3A_63 = tpu.memref_slice %arg11[%dma_start3A_61, %dma_start3A_62] : memref<10112x128xf32, #tpu.memory_space<vmem_shared>> -> memref<10112x128xf32, #tpu.memory_space<vmem_shared>>
          tpu.enqueue_indirect_dma source(%arg9 : memref<128x128xf32, #tpu.memory_space<vmem>>) target(%dma_start3A_63 : memref<10112x128xf32, #tpu.memory_space<vmem_shared>>) offsets(%dma_start3A_60 : memref<128xi32, #tpu.memory_space<vmem>>) semaphore(%run_scoped3A : memref<!tpu.dma_semaphore, #tpu.memory_space<semaphore_mem>>) {add = true}
          %dma_wait3A_64 = arith.constant 0 : i32
          %dma_wait3A_65 = tpu.memref_slice %arg8[%mul3A_32, %dma_wait3A_64] : memref<40x128xi32, #tpu.memory_space<vmem>> -> memref<1x128xi32, #tpu.memory_space<vmem>>
          %dma_wait3A_66 = tpu.memref_squeeze %dma_wait3A_65 : memref<1x128xi32, #tpu.memory_space<vmem>> -> memref<128xi32, #tpu.memory_space<vmem>>
          %dma_wait3A_67 = arith.constant 0 : i32
          %dma_wait3A_68 = arith.constant 0 : i32
          %dma_wait3A_69 = tpu.memref_slice %arg11[%dma_wait3A_67, %dma_wait3A_68] : memref<10112x128xf32, #tpu.memory_space<vmem_shared>> -> memref<10112x128xf32, #tpu.memory_space<vmem_shared>>
          tpu.wait_indirect_dma semaphore(%run_scoped3A : memref<!tpu.dma_semaphore, #tpu.memory_space<semaphore_mem>>) src(%arg9 : memref<128x128xf32, #tpu.memory_space<vmem>>) dst(%dma_wait3A_69 : memref<10112x128xf32, #tpu.memory_space<vmem_shared>>)
          tpu.yield
        }) : () -> ()
        %lt3A = arith.constant 19 : i32
        %lt3A_46 = arith.cmpi slt, %scan3A_30, %lt3A : i32
        %convert_element_type3A = arith.extui %lt3A_46 : i1 to i32
        %cond3A = arith.constant 0 : i32
        %cond3A_47 = arith.cmpi ne, %convert_element_type3A, %cond3A : i32
        scf.if %cond3A_47 {
          %add3A_58 = arith.constant 2 : i32
          %add3A_59 = arith.addi %mul3A_32, %add3A_58 : i32
          %dma_start3A_60 = arith.constant 0 : i32
          %dma_start3A_61 = tpu.memref_slice %arg7[%add3A_59, %dma_start3A_60] : memref<40x128xi32, #tpu.memory_space<vmem>> -> memref<1x128xi32, #tpu.memory_space<vmem>>
          %dma_start3A_62 = tpu.memref_squeeze %dma_start3A_61 : memref<1x128xi32, #tpu.memory_space<vmem>> -> memref<128xi32, #tpu.memory_space<vmem>>
          %dma_start3A_63 = arith.constant 0 : i32
          %dma_start3A_64 = arith.constant 0 : i32
          %dma_start3A_65 = tpu.memref_slice %arg2[%dma_start3A_63, %dma_start3A_64] : memref<10000x128xf32, #tpu.memory_space<hbm>> -> memref<10000x128xf32, #tpu.memory_space<hbm>>
          tpu.enqueue_indirect_dma source(%dma_start3A_65 : memref<10000x128xf32, #tpu.memory_space<hbm>>) target(%arg9 : memref<128x128xf32, #tpu.memory_space<vmem>>) offsets(%dma_start3A_62 : memref<128xi32, #tpu.memory_space<vmem>>) semaphore(%arg12 : memref<!tpu.dma_semaphore, #tpu.memory_space<semaphore_mem>>)
        } else {
        }
        %add3A_48 = arith.constant 1 : i32
        %add3A_49 = arith.addi %mul3A_32, %add3A_48 : i32
        %dma_wait3A_50 = arith.constant 0 : i32
        %dma_wait3A_51 = tpu.memref_slice %arg7[%add3A_49, %dma_wait3A_50] : memref<40x128xi32, #tpu.memory_space<vmem>> -> memref<1x128xi32, #tpu.memory_space<vmem>>
        %dma_wait3A_52 = tpu.memref_squeeze %dma_wait3A_51 : memref<1x128xi32, #tpu.memory_space<vmem>> -> memref<128xi32, #tpu.memory_space<vmem>>
        %dma_wait3A_53 = arith.constant 0 : i32
        %dma_wait3A_54 = arith.constant 0 : i32
        %dma_wait3A_55 = tpu.memref_slice %arg2[%dma_wait3A_53, %dma_wait3A_54] : memref<10000x128xf32, #tpu.memory_space<hbm>> -> memref<10000x128xf32, #tpu.memory_space<hbm>>
        tpu.wait_indirect_dma semaphore(%arg13 : memref<!tpu.dma_semaphore, #tpu.memory_space<semaphore_mem>>) src(%dma_wait3A_55 : memref<10000x128xf32, #tpu.memory_space<hbm>>) dst(%arg10 : memref<128x128xf32, #tpu.memory_space<vmem>>)
        %add3A_56 = arith.constant 1 : i32
        %add3A_57 = arith.addi %mul3A_32, %add3A_56 : i32
        "tpu.region"() ({
          %run_scoped3A = tpu.sem_alloc : memref<!tpu.dma_semaphore, #tpu.memory_space<semaphore_mem>>
          %dma_start3A_58 = arith.constant 0 : i32
          %dma_start3A_59 = tpu.memref_slice %arg8[%add3A_57, %dma_start3A_58] : memref<40x128xi32, #tpu.memory_space<vmem>> -> memref<1x128xi32, #tpu.memory_space<vmem>>
          %dma_start3A_60 = tpu.memref_squeeze %dma_start3A_59 : memref<1x128xi32, #tpu.memory_space<vmem>> -> memref<128xi32, #tpu.memory_space<vmem>>
          %dma_start3A_61 = arith.constant 0 : i32
          %dma_start3A_62 = arith.constant 0 : i32
          %dma_start3A_63 = tpu.memref_slice %arg11[%dma_start3A_61, %dma_start3A_62] : memref<10112x128xf32, #tpu.memory_space<vmem_shared>> -> memref<10112x128xf32, #tpu.memory_space<vmem_shared>>
          tpu.enqueue_indirect_dma source(%arg10 : memref<128x128xf32, #tpu.memory_space<vmem>>) target(%dma_start3A_63 : memref<10112x128xf32, #tpu.memory_space<vmem_shared>>) offsets(%dma_start3A_60 : memref<128xi32, #tpu.memory_space<vmem>>) semaphore(%run_scoped3A : memref<!tpu.dma_semaphore, #tpu.memory_space<semaphore_mem>>) {add = true}
          %dma_wait3A_64 = arith.constant 0 : i32
          %dma_wait3A_65 = tpu.memref_slice %arg8[%add3A_57, %dma_wait3A_64] : memref<40x128xi32, #tpu.memory_space<vmem>> -> memref<1x128xi32, #tpu.memory_space<vmem>>
          %dma_wait3A_66 = tpu.memref_squeeze %dma_wait3A_65 : memref<1x128xi32, #tpu.memory_space<vmem>> -> memref<128xi32, #tpu.memory_space<vmem>>
          %dma_wait3A_67 = arith.constant 0 : i32
          %dma_wait3A_68 = arith.constant 0 : i32
          %dma_wait3A_69 = tpu.memref_slice %arg11[%dma_wait3A_67, %dma_wait3A_68] : memref<10112x128xf32, #tpu.memory_space<vmem_shared>> -> memref<10112x128xf32, #tpu.memory_space<vmem_shared>>
          tpu.wait_indirect_dma semaphore(%run_scoped3A : memref<!tpu.dma_semaphore, #tpu.memory_space<semaphore_mem>>) src(%arg10 : memref<128x128xf32, #tpu.memory_space<vmem>>) dst(%dma_wait3A_69 : memref<10112x128xf32, #tpu.memory_space<vmem_shared>>)
          tpu.yield
        }) : () -> ()
      }
      %scan3A_29 = arith.constant 20 : i32
    }
    %scan3A_12 = arith.constant 2 : i32
    %barrier3A_13 = arith.constant 0 : index
    tpu.barrier barrier_id(%barrier3A_13)
    "tpu.region"() ({
      %run_scoped3A = tpu.sem_alloc : memref<!tpu.dma_semaphore, #tpu.memory_space<semaphore_mem>>
      %dma_start3A = arith.constant 0 : i32
      %dma_start3A_14 = tpu.memref_slice %arg6[%arg0, %mul3A_0, %dma_start3A] : memref<2x10112x128xf32, #tpu.memory_space<hbm>> -> memref<1x632x128xf32, #tpu.memory_space<hbm>>
      %dma_start3A_15 = tpu.memref_squeeze %dma_start3A_14 : memref<1x632x128xf32, #tpu.memory_space<hbm>> -> memref<632x128xf32, #tpu.memory_space<hbm>>
      %dma_start3A_16 = arith.constant 0 : i32
      %dma_start3A_17 = tpu.memref_slice %arg11[%mul3A_0, %dma_start3A_16] : memref<10112x128xf32, #tpu.memory_space<vmem_shared>> -> memref<632x128xf32, #tpu.memory_space<vmem_shared>>
      tpu.enqueue_dma source(%dma_start3A_17 : memref<632x128xf32, #tpu.memory_space<vmem_shared>>) target(%dma_start3A_15 : memref<632x128xf32, #tpu.memory_space<hbm>>) target_semaphore(%run_scoped3A : memref<!tpu.dma_semaphore, #tpu.memory_space<semaphore_mem>>)
      %dma_wait3A = arith.constant 0 : i32
      %dma_wait3A_18 = tpu.memref_slice %arg6[%arg0, %mul3A_0, %dma_wait3A] : memref<2x10112x128xf32, #tpu.memory_space<hbm>> -> memref<1x632x128xf32, #tpu.memory_space<hbm>>
      %dma_wait3A_19 = tpu.memref_squeeze %dma_wait3A_18 : memref<1x632x128xf32, #tpu.memory_space<hbm>> -> memref<632x128xf32, #tpu.memory_space<hbm>>
      %dma_wait3A_20 = arith.constant 0 : i32
      %dma_wait3A_21 = tpu.memref_slice %arg11[%mul3A_0, %dma_wait3A_20] : memref<10112x128xf32, #tpu.memory_space<vmem_shared>> -> memref<632x128xf32, #tpu.memory_space<vmem_shared>>
      tpu.wait_dma2 semaphore(%run_scoped3A : memref<!tpu.dma_semaphore, #tpu.memory_space<semaphore_mem>>) src(%dma_wait3A_21 : memref<632x128xf32, #tpu.memory_space<vmem_shared>>) dst(%dma_wait3A_19 : memref<632x128xf32, #tpu.memory_space<hbm>>)
      tpu.yield
    }) : () -> ()
    return
  }
}

module attributes {stable_mosaic.version = 14 : i64} {
  func.func @_dense1_body(%arg0: memref<10000x128xf32, #tpu.memory_space<vmem>>, %arg1: memref<128x128xf32, #tpu.memory_space<vmem>>, %arg2: memref<10000x1xf32, #tpu.memory_space<vmem>>, %arg3: memref<10000x1xf32, #tpu.memory_space<vmem>>, %arg4: memref<10000x128xf32, #tpu.memory_space<vmem>>, %arg5: memref<10000x1xf32, #tpu.memory_space<vmem>>) attributes {dimension_semantics = [], scalar_prefetch = 0 : i64, scratch_operands = 0 : i64, tpu.core_type = #tpu.core_type<tc>} {
    %get3A = arith.constant 0 : index
    %get3A_0 = arith.constant 0 : index
    %get3A_1 = vector.load %arg2[%get3A, %get3A_0] : memref<10000x1xf32, #tpu.memory_space<vmem>>, vector<10000x1xf32>
    %get3A_2 = arith.constant 0 : index
    %get3A_3 = arith.constant 0 : index
    %get3A_4 = vector.load %arg3[%get3A_2, %get3A_3] : memref<10000x1xf32, #tpu.memory_space<vmem>>, vector<10000x1xf32>
    %add3A = arith.addf %get3A_1, %get3A_4 : vector<10000x1xf32>
    %add3A_5 = arith.constant 1.000000e+00 : f32
    %add3A_6 = vector.broadcast %add3A_5 : f32 to vector<10000x1xf32>
    %add3A_7 = arith.addf %add3A, %add3A_6 : vector<10000x1xf32>
    %rsqrt3A = math.rsqrt %add3A_7 : vector<10000x1xf32>
    %get3A_8 = arith.constant 0 : index
    %get3A_9 = arith.constant 0 : index
    %get3A_10 = vector.load %arg0[%get3A_8, %get3A_9] : memref<10000x128xf32, #tpu.memory_space<vmem>>, vector<10000x128xf32>
    %get3A_11 = arith.constant 0 : index
    %get3A_12 = arith.constant 0 : index
    %get3A_13 = vector.load %arg1[%get3A_11, %get3A_12] : memref<128x128xf32, #tpu.memory_space<vmem>>, vector<128x128xf32>
    %dot_general3A = arith.constant dense<0.000000e+00> : vector<10000x128xf32>
    %dot_general3A_14 = tpu.matmul %get3A_10, %get3A_13, %dot_general3A {dimension_numbers = #tpu.dot_dimension_numbers<[1], [0], [0], [1], [0, 0, 1, 1], [], []>, transpose_lhs_hint = false} : vector<10000x128xf32>, vector<128x128xf32>, vector<10000x128xf32> -> vector<10000x128xf32>
    %mul3A = vector.broadcast %rsqrt3A : vector<10000x1xf32> to vector<10000x128xf32>
    %mul3A_15 = arith.mulf %dot_general3A_14, %mul3A : vector<10000x128xf32>
    %swap3A = arith.constant 0 : index
    %swap3A_16 = arith.constant 0 : index
    %swap3A_17 = vector.load %arg4[%swap3A, %swap3A_16] : memref<10000x128xf32, #tpu.memory_space<vmem>>, vector<10000x128xf32>
    tpu.vector_store %arg4[%swap3A, %swap3A_16], %mul3A_15 {strides = array<i32>} : memref<10000x128xf32, #tpu.memory_space<vmem>>, vector<10000x128xf32>,
    %swap3A_18 = arith.constant 0 : index
    %swap3A_19 = arith.constant 0 : index
    %swap3A_20 = vector.load %arg5[%swap3A_18, %swap3A_19] : memref<10000x1xf32, #tpu.memory_space<vmem>>, vector<10000x1xf32>
    tpu.vector_store %arg5[%swap3A_18, %swap3A_19], %rsqrt3A {strides = array<i32>} : memref<10000x1xf32, #tpu.memory_space<vmem>>, vector<10000x1xf32>,
    return
  }
}

module attributes {stable_mosaic.version = 14 : i64} {
  func.func @_mid_body(%arg0: memref<10000x128xf32, #tpu.memory_space<vmem>>, %arg1: memref<10000x128xf32, #tpu.memory_space<vmem>>, %arg2: memref<10000x128xf32, #tpu.memory_space<vmem>>, %arg3: memref<10000x1xf32, #tpu.memory_space<vmem>>, %arg4: memref<1x128xf32, #tpu.memory_space<vmem>>, %arg5: memref<1x128xf32, #tpu.memory_space<vmem>>, %arg6: memref<1x128xf32, #tpu.memory_space<vmem>>, %arg7: memref<128x128xf32, #tpu.memory_space<vmem>>, %arg8: memref<10000x128xf32, #tpu.memory_space<vmem>>) attributes {dimension_semantics = [], scalar_prefetch = 0 : i64, scratch_operands = 0 : i64, tpu.core_type = #tpu.core_type<tc>} {
    %get3A = arith.constant 0 : index
    %get3A_0 = arith.constant 0 : index
    %get3A_1 = vector.load %arg3[%get3A, %get3A_0] : memref<10000x1xf32, #tpu.memory_space<vmem>>, vector<10000x1xf32>
    %get3A_2 = arith.constant 0 : index
    %get3A_3 = arith.constant 0 : index
    %get3A_4 = vector.load %arg0[%get3A_2, %get3A_3] : memref<10000x128xf32, #tpu.memory_space<vmem>>, vector<10000x128xf32>
    %get3A_5 = arith.constant 0 : index
    %get3A_6 = arith.constant 0 : index
    %get3A_7 = vector.load %arg1[%get3A_5, %get3A_6] : memref<10000x128xf32, #tpu.memory_space<vmem>>, vector<10000x128xf32>
    %add3A = arith.addf %get3A_4, %get3A_7 : vector<10000x128xf32>
    %get3A_8 = arith.constant 0 : index
    %get3A_9 = arith.constant 0 : index
    %get3A_10 = vector.load %arg2[%get3A_8, %get3A_9] : memref<10000x128xf32, #tpu.memory_space<vmem>>, vector<10000x128xf32>
    %add3A_11 = arith.addf %add3A, %get3A_10 : vector<10000x128xf32>
    %mul3A = vector.broadcast %get3A_1 : vector<10000x1xf32> to vector<10000x128xf32>
    %mul3A_12 = arith.mulf %add3A_11, %mul3A : vector<10000x128xf32>
    %get3A_13 = arith.constant 0 : index
    %get3A_14 = arith.constant 0 : index
    %get3A_15 = vector.load %arg4[%get3A_13, %get3A_14] : memref<1x128xf32, #tpu.memory_space<vmem>>, vector<1x128xf32>
    %add3A_16 = vector.broadcast %get3A_15 : vector<1x128xf32> to vector<10000x128xf32>
    %add3A_17 = arith.addf %mul3A_12, %add3A_16 : vector<10000x128xf32>
    %reduce_sum3A = arith.constant dense<0.000000e+00> : vector<128xf32>
    %reduce_sum3A_18 = vector.multi_reduction <add>, %add3A_17, %reduce_sum3A [0] : vector<10000x128xf32> to vector<128xf32>
    %broadcast_in_dim3A = vector.shape_cast %reduce_sum3A_18 : vector<128xf32> to vector<1x128xf32>
    %div3A = arith.constant 1.000000e+04 : f32
    %div3A_19 = vector.broadcast %div3A : f32 to vector<1x128xf32>
    %div3A_20 = arith.divf %broadcast_in_dim3A, %div3A_19 : vector<1x128xf32>
    %sub3A = vector.broadcast %div3A_20 : vector<1x128xf32> to vector<10000x128xf32>
    %sub3A_21 = arith.subf %add3A_17, %sub3A : vector<10000x128xf32>
    %integer_pow3A = arith.mulf %sub3A_21, %sub3A_21 : vector<10000x128xf32>
    %reduce_sum3A_22 = arith.constant dense<0.000000e+00> : vector<128xf32>
    %reduce_sum3A_23 = vector.multi_reduction <add>, %integer_pow3A, %reduce_sum3A_22 [0] : vector<10000x128xf32> to vector<128xf32>
    %broadcast_in_dim3A_24 = vector.shape_cast %reduce_sum3A_23 : vector<128xf32> to vector<1x128xf32>
    %div3A_25 = arith.constant 1.000000e+04 : f32
    %div3A_26 = vector.broadcast %div3A_25 : f32 to vector<1x128xf32>
    %div3A_27 = arith.divf %broadcast_in_dim3A_24, %div3A_26 : vector<1x128xf32>
    %sub3A_28 = vector.broadcast %div3A_20 : vector<1x128xf32> to vector<10000x128xf32>
    %sub3A_29 = arith.subf %add3A_17, %sub3A_28 : vector<10000x128xf32>
    %add3A_30 = arith.constant 9.99999974E-6 : f32
    %add3A_31 = vector.broadcast %add3A_30 : f32 to vector<1x128xf32>
    %add3A_32 = arith.addf %div3A_27, %add3A_31 : vector<1x128xf32>
    %rsqrt3A = math.rsqrt %add3A_32 : vector<1x128xf32>
    %mul3A_33 = vector.broadcast %rsqrt3A : vector<1x128xf32> to vector<10000x128xf32>
    %mul3A_34 = arith.mulf %sub3A_29, %mul3A_33 : vector<10000x128xf32>
    %get3A_35 = arith.constant 0 : index
    %get3A_36 = arith.constant 0 : index
    %get3A_37 = vector.load %arg5[%get3A_35, %get3A_36] : memref<1x128xf32, #tpu.memory_space<vmem>>, vector<1x128xf32>
    %mul3A_38 = vector.broadcast %get3A_37 : vector<1x128xf32> to vector<10000x128xf32>
    %mul3A_39 = arith.mulf %mul3A_34, %mul3A_38 : vector<10000x128xf32>
    %get3A_40 = arith.constant 0 : index
    %get3A_41 = arith.constant 0 : index
    %get3A_42 = vector.load %arg6[%get3A_40, %get3A_41] : memref<1x128xf32, #tpu.memory_space<vmem>>, vector<1x128xf32>
    %add3A_43 = vector.broadcast %get3A_42 : vector<1x128xf32> to vector<10000x128xf32>
    %add3A_44 = arith.addf %mul3A_39, %add3A_43 : vector<10000x128xf32>
    %max3A = arith.constant 0.000000e+00 : f32
    %max3A_45 = vector.broadcast %max3A : f32 to vector<10000x128xf32>
    %max3A_46 = arith.maximumf %add3A_44, %max3A_45 : vector<10000x128xf32>
    %get3A_47 = arith.constant 0 : index
    %get3A_48 = arith.constant 0 : index
    %get3A_49 = vector.load %arg7[%get3A_47, %get3A_48] : memref<128x128xf32, #tpu.memory_space<vmem>>, vector<128x128xf32>
    %dot_general3A = arith.constant dense<0.000000e+00> : vector<10000x128xf32>
    %dot_general3A_50 = tpu.matmul %max3A_46, %get3A_49, %dot_general3A {dimension_numbers = #tpu.dot_dimension_numbers<[1], [0], [0], [1], [0, 0, 1, 1], [], []>, transpose_lhs_hint = false} : vector<10000x128xf32>, vector<128x128xf32>, vector<10000x128xf32> -> vector<10000x128xf32>
    %mul3A_51 = vector.broadcast %get3A_1 : vector<10000x1xf32> to vector<10000x128xf32>
    %mul3A_52 = arith.mulf %dot_general3A_50, %mul3A_51 : vector<10000x128xf32>
    %swap3A = arith.constant 0 : index
    %swap3A_53 = arith.constant 0 : index
    %swap3A_54 = vector.load %arg8[%swap3A, %swap3A_53] : memref<10000x128xf32, #tpu.memory_space<vmem>>, vector<10000x128xf32>
    tpu.vector_store %arg8[%swap3A, %swap3A_53], %mul3A_52 {strides = array<i32>} : memref<10000x128xf32, #tpu.memory_space<vmem>>, vector<10000x128xf32>,
    return
  }
}

module attributes {stable_mosaic.version = 14 : i64} {
  func.func @_final_body(%arg0: memref<10000x128xf32, #tpu.memory_space<vmem>>, %arg1: memref<10000x128xf32, #tpu.memory_space<vmem>>, %arg2: memref<10000x128xf32, #tpu.memory_space<vmem>>, %arg3: memref<10000x1xf32, #tpu.memory_space<vmem>>, %arg4: memref<1x128xf32, #tpu.memory_space<vmem>>, %arg5: memref<10000x128xf32, #tpu.memory_space<vmem>>) attributes {dimension_semantics = [], scalar_prefetch = 0 : i64, scratch_operands = 0 : i64, tpu.core_type = #tpu.core_type<tc>} {
    %get3A = arith.constant 0 : index
    %get3A_0 = arith.constant 0 : index
    %get3A_1 = vector.load %arg0[%get3A, %get3A_0] : memref<10000x128xf32, #tpu.memory_space<vmem>>, vector<10000x128xf32>
    %get3A_2 = arith.constant 0 : index
    %get3A_3 = arith.constant 0 : index
    %get3A_4 = vector.load %arg1[%get3A_2, %get3A_3] : memref<10000x128xf32, #tpu.memory_space<vmem>>, vector<10000x128xf32>
    %add3A = arith.addf %get3A_1, %get3A_4 : vector<10000x128xf32>
    %get3A_5 = arith.constant 0 : index
    %get3A_6 = arith.constant 0 : index
    %get3A_7 = vector.load %arg2[%get3A_5, %get3A_6] : memref<10000x128xf32, #tpu.memory_space<vmem>>, vector<10000x128xf32>
    %add3A_8 = arith.addf %add3A, %get3A_7 : vector<10000x128xf32>
    %get3A_9 = arith.constant 0 : index
    %get3A_10 = arith.constant 0 : index
    %get3A_11 = vector.load %arg3[%get3A_9, %get3A_10] : memref<10000x1xf32, #tpu.memory_space<vmem>>, vector<10000x1xf32>
    %mul3A = vector.broadcast %get3A_11 : vector<10000x1xf32> to vector<10000x128xf32>
    %mul3A_12 = arith.mulf %add3A_8, %mul3A : vector<10000x128xf32>
    %get3A_13 = arith.constant 0 : index
    %get3A_14 = arith.constant 0 : index
    %get3A_15 = vector.load %arg4[%get3A_13, %get3A_14] : memref<1x128xf32, #tpu.memory_space<vmem>>, vector<1x128xf32>
    %add3A_16 = vector.broadcast %get3A_15 : vector<1x128xf32> to vector<10000x128xf32>
    %add3A_17 = arith.addf %mul3A_12, %add3A_16 : vector<10000x128xf32>
    %swap3A = arith.constant 0 : index
    %swap3A_18 = arith.constant 0 : index
    %swap3A_19 = vector.load %arg5[%swap3A, %swap3A_18] : memref<10000x128xf32, #tpu.memory_space<vmem>>, vector<10000x128xf32>
    tpu.vector_store %arg5[%swap3A, %swap3A_18], %add3A_17 {strides = array<i32>} : memref<10000x128xf32, #tpu.memory_space<vmem>>, vector<10000x128xf32>,
    return
  }
}

</mosaic_0001>

<sc_bundles>
// kernel: kernel.10.cloned.1.call-start
scs
__scs_entry_jumppad:
0x0: {  	(pc) =	sbr.rel $0x88, $3  }
0x1: {  	(tag) =	ssettag $0x0;
	lr =	simm.s32 $0x1  }
0x2: {  	[smem:$0x3F95] =	sst lr;
	_ =	strace $0xD0000000  }
0x3: {  	_ = 	snop  }
0x4: {  	_ = 	snop  }
0x5: {  	_ = 	snop  }
0x6: {  	_ = 	snop  }
0x7: {  	_ = 	snop  }
__scs_overlays_trampoline_lowered:
0x8: {  	[smem:$0x3FA4] =	sst s0  }
0x9: {  	[smem:$0x3FA5] =	sst s1  }
0xa: {  	[smem:$0x3FA6] =	sst s2  }
0xb: {  	[smem:$0x3FA7] =	sst s3  }
0xc: {  	[smem:$0x3FA8] =	sst s4  }
0xd: {  	[smem:$0x3FA9] =	sst s5  }
0xe: {  	[smem:$0x3FAA] =	sst s6  }
0xf: {  	[smem:$0x3FAB] =	sst s7  }
0x10: {  	[smem:$0x3FAC] =	sst s8  }
0x11: {  	[smem:$0x3FAD] =	sst s9;
	s0 =	simm.s32 @!p0 $0x0  }
0x12: {  	s1 =	sld [smem:$0x3F93];
	s0 =	simm.s32 @p0 $0x1  }
0x13: {  	[smem:$0x3FAE] =	sst s0;
	s0 =	simm.s32 @!p1 $0x0  }
0x14: {  	s2 =	sld [smem:$0x3F92];
	s0 =	simm.s32 @p1 $0x1  }
0x15: {  	[smem:$0x3FAF] =	sst s0;
	s0 =	simm.s32 @!p2 $0x0  }
0x16: {  	s3 =	sld [smem:$0x3FDB];
	s0 =	simm.s32 @p2 $0x1  }
0x17: {  	s4 =	simm.s32 $0x1BF5;
	[smem:$0x3FB1] =	sst s0  }
0x18: {  	s0 =	sld [smem:$0x3F94];
	_ =	swait.ge [sflag:s4], $0x0  }
0x19: {  	s7 =	sld [smem:$0x3F95]  }
0x1a: {  	s8 =	sadd.s32 $0xFFFFE003, lr  }
0x1b: {  	s9 =	sadd.s32 $0xFFFFFEF7, lr;
	s5 =	simm.s32 $0xFFFFFFFF;
	p2 =	slt.u32 s8, $0xFFFFF086  }
0x1c: {  	p1 =	slt.u32 s9, $0xF7A;
	s5 =	simm.s32 @!p2 $0x0  }
0x1d: {  	s5 =	simm.s32 @p1 $0x1;
	p0 =	seq.s32 s7, s2  }
0x1e: {  	s7 =	smul.u32 @!p0 $0xF7A, s2;
	p2 =	seq.s32 @!p0 s5, $0x0  }
0x1f: {  	s9 =	smul.u32 $0xF7A, s1;
	s8 =	simm.s32 @!p0 $0x1BF5;
	p2 =	por !p2, p0  }
0x20: {  	[sflag:s8] =	ssyncset.s32 @!p0 $0xFFFFF086;
	s6 =	sadd.s32 @!p0 s3, s7;
	s7 =	simm.s32 @!p0 $0x108  }
0x21: {  	s3 =	sadd.s32 s3, s9;
	s6 =	sadd.s32 @!p0 $0x88, s6;
	s7 =	simm.s32 @p2 $0x1082  }
0x22: {  	[simem:s7], [sflag:s8] =	dma.local @!p0 [hbm:s6], $0xF7A  }
0x23: {  	s9 =	sor.u32 $0xD0000000, s2;
	s6 =	simm.s32 $0x108;
	_ =	swait.ge @!p0 [sflag:s8], $0x0  }
0x24: {  	s3 =	sadd.s32 $0x88, s3;
	s6 =	simm.s32 @!p1 $0x1082;
	[sflag:s4] =	ssyncset.s32 $0xFFFFF086  }
0x25: {  	[simem:s6], [sflag:s4] =	dma.local [hbm:s3], $0xF7A  }
0x26: {  	[smem:$0x3F95] =	sst s1;
	(tag) =	ssettag s2;
	_ =	strace s9  }
0x27: {  	s1 =	sld [smem:$0x3FA5]  }
0x28: {  	s2 =	sld [smem:$0x3FA6]  }
0x29: {  	s4 =	sld [smem:$0x3FA8]  }
0x2a: {  	p0 =	seq.s32 s5, $0x0;
	s5 =	sld [smem:$0x3FA9]  }
0x2b: {  	s6 =	sld [smem:$0x3FAA]  }
0x2c: {  	s7 =	sld [smem:$0x3FAB]  }
0x2d: {  	s3 =	simm.s32 $0x108;
	s8 =	sld [smem:$0x3FAC]  }
0x2e: {  	s3 =	simm.s32 @!p0 $0x1082;
	s9 =	sld [smem:$0x3FAD]  }
0x2f: {  	lr =	sadd.s32 s0, s3;
	s0 =	sld [smem:$0x3FA4]  }
0x30: {  	s3 =	sld [smem:$0x3FA7]  }
0x31: {  	[smem:$0x3FB0] =	sst s10  }
0x32: {  	s10 =	sld [smem:$0x3FAE];
	_ =	sdelay $0x3  }
0x33: {  	p0 =	seq.s32 s10, $0x1;
	s10 =	sld [smem:$0x3FB0];
	_ =	sdelay $0x3  }
0x34: {  	[smem:$0x3FB0] =	sst s10  }
0x35: {  	s10 =	sld [smem:$0x3FAF];
	_ =	sdelay $0x3  }
0x36: {  	p1 =	seq.s32 s10, $0x1;
	s10 =	sld [smem:$0x3FB0];
	_ =	sdelay $0x3  }
0x37: {  	[smem:$0x3FB0] =	sst s10  }
0x38: {  	s10 =	sld [smem:$0x3FB1]  }
0x39: {  	_ = 	snop;
	(pc) =	sbr.ind lr, $3  }
0x3a: {  	_ = 	snop  }
0x3b: {  	_ = 	snop  }
0x3c: {  	p2 =	seq.s32 s10, $0x1;
	s10 =	sld [smem:$0x3FB0]  }
0x3d: {  	_ =	shalt  }
0x3e: {  	_ =	shalt  }
0x3f: {  	_ =	shalt  }
0x40: {  	_ =	shalt  }
0x41: {  	_ =	shalt  }
0x42: {  	_ =	shalt  }
0x43: {  	_ =	shalt  }
0x44: {  	_ =	shalt  }
0x45: {  	_ =	shalt  }
0x46: {  	_ =	shalt  }
0x47: {  	_ =	shalt  }
0x48: {  	_ =	shalt  }
0x49: {  	_ =	shalt  }
0x4a: {  	_ =	shalt  }
0x4b: {  	_ =	shalt  }
0x4c: {  	_ =	shalt  }
0x4d: {  	_ =	shalt  }
0x4e: {  	_ =	shalt  }
0x4f: {  	_ =	shalt  }
0x50: {  	_ =	shalt  }
0x51: {  	_ =	shalt  }
0x52: {  	_ =	shalt  }
0x53: {  	_ =	shalt  }
0x54: {  	_ =	shalt  }
0x55: {  	_ =	shalt  }
0x56: {  	_ =	shalt  }
0x57: {  	_ =	shalt  }
0x58: {  	_ =	shalt  }
0x59: {  	_ =	shalt  }
0x5a: {  	_ =	shalt  }
0x5b: {  	_ =	shalt  }
0x5c: {  	_ =	shalt  }
0x5d: {  	_ =	shalt  }
0x5e: {  	_ =	shalt  }
0x5f: {  	_ =	shalt  }
0x60: {  	_ =	shalt  }
0x61: {  	_ =	shalt  }
0x62: {  	_ =	shalt  }
0x63: {  	_ =	shalt  }
0x64: {  	_ =	shalt  }
0x65: {  	_ =	shalt  }
0x66: {  	_ =	shalt  }
0x67: {  	_ =	shalt  }
0x68: {  	_ =	shalt  }
0x69: {  	_ =	shalt  }
0x6a: {  	_ =	shalt  }
0x6b: {  	_ =	shalt  }
0x6c: {  	_ =	shalt  }
0x6d: {  	_ =	shalt  }
0x6e: {  	_ =	shalt  }
0x6f: {  	_ =	shalt  }
0x70: {  	_ =	shalt  }
0x71: {  	_ =	shalt  }
0x72: {  	_ =	shalt  }
0x73: {  	_ =	shalt  }
0x74: {  	_ =	shalt  }
0x75: {  	_ =	shalt  }
0x76: {  	_ =	shalt  }
0x77: {  	_ =	shalt  }
0x78: {  	_ =	shalt  }
0x79: {  	_ =	shalt  }
0x7a: {  	_ =	shalt  }
0x7b: {  	_ =	shalt  }
0x7c: {  	_ =	shalt  }
0x7d: {  	_ =	shalt  }
0x7e: {  	_ =	shalt  }
0x7f: {  	_ =	shalt  }
0x80: {  	_ =	shalt  }
0x81: {  	_ =	shalt  }
0x82: {  	_ =	shalt  }
0x83: {  	_ =	shalt  }
0x84: {  	_ =	shalt  }
0x85: {  	_ =	shalt  }
0x86: {  	_ =	shalt  }
0x87: {  	_ =	shalt  }
.Lfunc_end0:
.L_simem_size_0:
called_computation_lowered:
.L_overlay_start_0:
0x88: {  	s2 =	sld [smem:$0x3FD9]  }
0x89: {  	s3 =	sld [smem:$0x3FFE];
	_ =	sdelay $0x1  }
0x8a: {  	s1 =	srdreg.scid  }
0x8b: {  	s0 =	sand.u32 $0x1, s1  }
0x8c: {  	s17 =	sshll.u32 s0, $0xA;
	s2 =	sadd.s32 s3, s2  }
0x8d: {  	s2 =	sadd.s32 s2, s17  }
0x8e: {  	[smem:$0x3FBC] =	sst s2  }
0x8f: {  	_ = 	snop  }
0x90: {  	s2 =	sld [smem:$0x3FD0];
	(tm) =	ssettm $0x1  }
0x91: {  	s18 =	sld [smem:$0x3FFB];
	_ =	sdelay $0x3  }
0x92: {  	_ =	strace s18  }
0x93: {  	s3 =	sld [smem:$0x3FFC];
	_ =	sdelay $0x3  }
0x94: {  	_ =	strace s3  }
0x95: {  	s3 =	sld [smem:$0x3FFD];
	_ =	sdelay $0x3  }
0x96: {  	_ =	strace s3  }
0x97: {  	_ =	strace $0x8FFFFFFF  }
0x98: {  	s19 =	sld [smem:$0x3FDB];
	_ =	sdelay $0x1  }
0x99: {  	s4 =	simm.s32 $_scs_section_size  }
0x9a: {  	s5 =	simm.s32 $_size__tile_overlayer_lowered;
	s6 =	simm.s32 $_tile_overlayer_lowered  }
0x9b: {  	s22 =	simm.s32 $0x1BFF;
	s21 =	sshll.u32 s6, $0x1;
	s3 =	sadd.s32 s4, s19  }
0x9c: {  	s7 =	simm.s32 $0x0;
	s20 =	sshll.u32 s5, $0x1;
	s5 =	sadd.s32 s21, s3  }
0x9d: {  	[timem:s7], [sflag:s22] =	dma.local [hbm:s5], s20  }
0x9e: {  	_ =	swait.ge [sflag:s22], s20  }
0x9f: {  	s4 =	ssub.s32 $0x0, s20;
	[sflag:s22] =	ssyncset.done $0x0  }
0xa0: {  	[sflag:s22] =	ssyncadd.s32 s4;
	_ =	sdelay $0x1  }
0xa1: {  	s23 =	simm.s32 $0x1B8B  }
0xa2: {  	_ =	swait.ge [sflag:s23], $0x1  }
0xa3: {  	[sflag:s23] =	ssyncset.done $0x0  }
0xa4: {  	s25 =	simm.s32 $0x1B8E;
	s24 =	sld [smem:$0x3FFE];
	[sflag:s23] =	ssyncadd.s32 $0xFFFFFFFF  }
0xa5: {  	s26 =	simm.s32 $execute0_lowered;
	[smem:$0x3FD2] =	sst s25  }
0xa6: {  	s5 =	sshll.u32 s26, $0x1;
	_ =	strace $0x80000046;
	[dreg:$0x1] =	wrdreg $0xFFFFFFFF  }
0xa7: {  	s28 =	simm.s32 $_size_execute0_lowered;
	s3 =	sadd.s32 s3, s5;
	[dreg:$0x0] =	wrdreg $0x0  }
0xa8: {  	s5 =	sshll.u32 s28, $0x1;
	[dreg:$0x2] =	wrdreg s3  }
0xa9: {  	[dreg:$0x3] =	wrdreg s5  }
0xaa: {  	[dreg:$0x4] =	wrdreg $0xC0  }
0xab: {  	_ =	task [dreg:s7], $0x5FFFF  }
0xac: {  	[dreg:$0x1] =	wrdreg $0xFFFFFFFF  }
0xad: {  	[dreg:$0x0] =	wrdreg $0x60  }
0xae: {  	[dreg:$0x2] =	wrdreg s2  }
0xaf: {  	[dreg:$0x3] =	wrdreg s24  }
0xb0: {  	[dreg:$0x4] =	wrdreg $0x68000  }
0xb1: {  	[dreg:$0x5] =	wrdreg $0x9  }
0xb2: {  	_ =	task.clear_ibuf [dreg:s7], $0x6FFFF;
	_ =	strace $0x90000046  }
0xb3: {  	s29 =	simm.s32 $0x9;
	_ =	strace $0x80000048  }
0xb4: {  	_ =	swait.ge [sflag:s29], $0x1  }
0xb5: {  	[sflag:s29] =	ssyncadd.s32 $0xFFFFFFFF  }
0xb6: {  	_ =	strace $0x90000048  }
0xb7: {  	_ =	sfence  }
0xb8: {  	s30 =	sld [smem:$0x0];
	_ =	sdelay $0x2  }
0xb9: {  	s31 =	sshll.u32 s1, $0xD;
	s1 =	sshrl.u32 s1, $0x2  }
0xba: {  	s3 =	sand.u32 $0x4000, s31;
	s1 =	sadd.s32 s1, s30  }
0xbb: {  	s0 =	sor.u32 s3, s0;
	s1 =	sshll.u32 s1, $0x11  }
0xbc: {  	s0 =	sor.u32 s1, s0  }
0xbd: {  	s0 =	sadd.s32 $0x8F2B, s0  }
0xbe: {  	[sflag:s0] =	ssyncadd.remote.s32 $0x1  }
0xbf: {  	_ =	sfence.sel $0xFFFF  }
0xc0: {  	[dreg:$0x0] =	wrdreg $0xFFFFFFFF;
	(pc) =	sbr.abs _section_cstart, $3  }
0xc1: {  	[dreg:$0x1] =	wrdreg $0xFFFFFFFF  }
0xc2: {  	_ =	task.clear_ibuf [dreg:s7], $0x2FFFF;
	_ =	strace $0x9FFFFFFF  }
0xc3: {  	(tm) =	ssettm $0x7FFFFFFF  }
tec
execute0_lowered:
.L_overlay_start_1:
0x0: {  	(tag) =	ssettag $0x1  }
0x1: {  	s7 =	rddreg [dreg:$0x0]  }
0x2: {  	s6 =	rddreg [dreg:$0x1]  }
0x3: {  	s1 =	rddreg [dreg:$0x2]  }
0x4: {  	s2 =	srdreg.scid;
	s0 =	rddreg [dreg:$0x3];
	s3 =	simm.s32 $0x0  }
0x5: {  	s12 =	simm.s32 $0x2800;
	s13 =	simm.s32 $0x80;
	s8 =	sand.u32 $0x1, s2  }
0x6: {  	s14 =	simm.s32 $0x0;
	s2 =	stileid.u32;
	s9 =	smul.u32 $0x13C000, s8  }
0x7: {  	[smem:$0x7FF] =	sst s3;
	s4 =	sadd.s32 $0xF200, s6;
	s10 =	smul.u32 $0x13C00, s2  }
0x8: {  	s5 =	sadd.s32 $0xFA00, s6;
	_ =	strace $0x80000047;
	s26 =	smul.u32 $0x4F000, s2  }
0x9: {  	s11 =	sshll.u32 s8, $0x4;
	s28 =	ssub.s32 $0x2, s8;
	s31 =	sshll.u32 s2, $0x6  }
0xa: {  	s29 =	sor.u32 s2, s11;
	s30 =	sshrl.u32 s28, $0x1;
	s9 =	sadd.s32 s10, s9  }
0xb: {  	s10 =	sshrl.u32 s26, $0x2;
	s8 =	smul.u32 $0x500, s29;
	s9 =	sshrl.u32 s9, $0x3  }
0xc: {  	s11 =	ssub.s32 s28, s30;
	s10 =	sadd.s32 s10, s1;
	s9 =	sadd.s32 s9, s6  }
0xd: {  	s6 =	sor.u32 $0x1C01, s31;
	s7 =	sadd.s32 s7, s8;
	s10 =	sshrl.u32 s10, $0x3  }
0xe: {  	s8 =	sadd.s32 $0x12200, s9;
	s9 =	smax.u32 s11, $0x1;
	s11 =	simm.s32 $0x1  }
.LBB2_1:
0xf: {  	[spmem:s10], [sflag:s6] =	dma.local [hbm:s5], $0x2780  }
0x10: {  	_ =	swait.ge [sflag:s11], $0x2780  }
0x11: {  	[sflag:s11] =	ssyncset.done $0x0  }
0x12: {  	[sflag:s11] =	ssyncadd.s32 $0xFFFFD880  }
0x13: {  	[tilespmem:s12], [sflag:$0x1] =	stream.linear.gather [hbm4b:s4+s3], $0x4000, $0x38;
	[tilespmem:$0x1A400] =	vst v63  }
0x14: {  	_ =	swait.ge [sflag:s11], $0x4000  }
0x15: {  	[sflag:s11] =	ssyncset.done $0x0  }
0x16: {  	[sflag:s11] =	ssyncadd.s32 $0xFFFFC000  }
0x17: {  	[tilespmem:s3], [sflag:$0x1] =	stream.linear.gather [hbm4b:s7+s3], $0x2800, $0x38;
	[tilespmem:$0x1A400] =	vst v63  }
0x18: {  	_ =	swait.ge [sflag:s11], $0x2800  }
0x19: {  	[sflag:s11] =	ssyncset.done $0x0  }
0x1a: {  	[sflag:s11] =	ssyncadd.s32 $0xFFFFD800  }
0x1b: {  	s15 =	simm.s32 $0x0;
	[bflag:$0x0] =	sbarrier.arrive $0xFFFF  }
0x1c: {  	[spmem:s1] =	stream.indirect.scatter.add.f32 [tilespmem:s12], [sflag:$0x1], $0x80, s15, s13, $0xb8;
	[tilespmem:$0x1A400] =	vst v63  }
0x1d: {  	_ =	swait.ge [sflag:s11], $0x4000  }
0x1e: {  	s15 =	simm.s32 $0x200;
	[sflag:s11] =	ssyncset.done $0x0  }
.LBB2_2:
0x1f: {  	s16 =	sshra.s32 s15, $0x2;
	[sflag:s11] =	ssyncadd.s32 $0xFFFFC000;
	p0 =	sne.s32 s15, $0x9E00  }
0x20: {  	[spmem:s1] =	stream.indirect.scatter.add.f32 [tilespmem:s12], [sflag:$0x1], $0x80, s16, s13, $0xb8;
	[tilespmem:$0x1A400] =	vst v63  }
.Ltmp0:
0x21: {  	_ = 	snop;
	(pc) =	sbr.rel @p0 .LBB2_2-.Ltmp0, $4  }
0x22: {  	_ = 	snop  }
0x23: {  	s15 =	sadd.s32 $0x200, s15  }
0x24: {  	_ =	swait.ge [sflag:s11], $0x4000  }
0x25: {  	[sflag:s11] =	ssyncset.done $0x0  }
0x26: {  	s14 =	sadd.s32 $0x1, s14  }
0x27: {  	[sflag:s11] =	ssyncadd.s32 $0xFFFFC000;
	p0 =	sne.s32 s14, s9  }
.Ltmp1:
0x28: {  	[bflag:$0x0] =	sbarrier.arrive $0xFFFF;
	(pc) =	sbr.rel @p0 .LBB2_1-.Ltmp1, $4  }
0x29: {  	[hbm:s8], [sflag:s6] =	dma.local [spmem:s10], $0x2780  }
0x2a: {  	_ =	swait.ge [sflag:s11], $0x2780  }
0x2b: {  	[sflag:s11] =	ssyncset.done $0x0  }
0x2c: {  	[sflag:s11] =	ssyncadd.s32 $0xFFFFD880  }
0x2d: {  	_ =	sfence.sel $0x180000  }
0x2e: {  	[bflag:$0x0] =	sbarrier.arrive $0xFFFF  }
0x2f: {  	p0 =	sne.s32 s2, $0x0;
	_ =	strace $0x90000047  }
0x30: {  	s0 =	sadd.s32 @!p0 $0x100000, s0;
	[bflag:$0x2] =	sbarrier.arrive $0xFFFF  }
0x31: {  	[sflag:s0] =	ssyncadd.tile.s32 @!p0 $0x1;
	_ =	shalt  }
.Lfunc_end2:
_tile_overlayer_lowered:
.L_overlay_start_2:
0x32: {  	(tag) =	ssettag $0x2  }
0x33: {  	s0 =	rddreg [dreg:$0x0];
	s2 =	stileid.u32  }
0x34: {  	s1 =	rddreg [dreg:$0x1];
	p0 =	sne.s32 s2, $0x0  }
0x35: {  	s3 =	rddreg [dreg:$0x2];
	[bflag:$0x3] =	sbarrier.arrive $0xFFFF;
	s2 =	simm.s32 @!p0 $0x1C01  }
0x36: {  	[timem:s3], [sflag:s2] =	dma.local @!p0 [hbm:s0], s1  }
0x37: {  	s0 =	simm.s32 @!p0 $0x1  }
0x38: {  	_ =	swait.ge @!p0 [sflag:s0], s1  }
0x39: {  	s1 =	ssub.s32 @!p0 $0x0, s1;
	[sflag:s0] =	ssyncset.done @!p0 $0x0  }
0x3a: {  	[sflag:s0] =	ssyncadd.s32 @!p0 s1  }
0x3b: {  	[bflag:$0x3] =	sbarrier.arrive $0xFFFF  }
0x3c: {  	_ =	shalt  }

// kernel: kernel.13.cloned.1.call-start
scs
__scs_entry_jumppad:
0x0: {  	(pc) =	sbr.rel $0x88, $3  }
0x1: {  	(tag) =	ssettag $0x0;
	lr =	simm.s32 $0x1  }
0x2: {  	[smem:$0x3F95] =	sst lr;
	_ =	strace $0xD0000000  }
0x3: {  	_ = 	snop  }
0x4: {  	_ = 	snop  }
0x5: {  	_ = 	snop  }
0x6: {  	_ = 	snop  }
0x7: {  	_ = 	snop  }
__scs_overlays_trampoline_lowered:
0x8: {  	[smem:$0x3FA4] =	sst s0  }
0x9: {  	[smem:$0x3FA5] =	sst s1  }
0xa: {  	[smem:$0x3FA6] =	sst s2  }
0xb: {  	[smem:$0x3FA7] =	sst s3  }
0xc: {  	[smem:$0x3FA8] =	sst s4  }
0xd: {  	[smem:$0x3FA9] =	sst s5  }
0xe: {  	[smem:$0x3FAA] =	sst s6  }
0xf: {  	[smem:$0x3FAB] =	sst s7  }
0x10: {  	[smem:$0x3FAC] =	sst s8  }
0x11: {  	[smem:$0x3FAD] =	sst s9;
	s0 =	simm.s32 @!p0 $0x0  }
0x12: {  	s1 =	sld [smem:$0x3F93];
	s0 =	simm.s32 @p0 $0x1  }
0x13: {  	[smem:$0x3FAE] =	sst s0;
	s0 =	simm.s32 @!p1 $0x0  }
0x14: {  	s2 =	sld [smem:$0x3F92];
	s0 =	simm.s32 @p1 $0x1  }
0x15: {  	[smem:$0x3FAF] =	sst s0;
	s0 =	simm.s32 @!p2 $0x0  }
0x16: {  	s3 =	sld [smem:$0x3FDB];
	s0 =	simm.s32 @p2 $0x1  }
0x17: {  	s4 =	simm.s32 $0x1BF5;
	[smem:$0x3FB1] =	sst s0  }
0x18: {  	s0 =	sld [smem:$0x3F94];
	_ =	swait.ge [sflag:s4], $0x0  }
0x19: {  	s7 =	sld [smem:$0x3F95]  }
0x1a: {  	s8 =	sadd.s32 $0xFFFFE003, lr  }
0x1b: {  	s9 =	sadd.s32 $0xFFFFFEF7, lr;
	s5 =	simm.s32 $0xFFFFFFFF;
	p2 =	slt.u32 s8, $0xFFFFF086  }
0x1c: {  	p1 =	slt.u32 s9, $0xF7A;
	s5 =	simm.s32 @!p2 $0x0  }
0x1d: {  	s5 =	simm.s32 @p1 $0x1;
	p0 =	seq.s32 s7, s2  }
0x1e: {  	s7 =	smul.u32 @!p0 $0xF7A, s2;
	p2 =	seq.s32 @!p0 s5, $0x0  }
0x1f: {  	s9 =	smul.u32 $0xF7A, s1;
	s8 =	simm.s32 @!p0 $0x1BF5;
	p2 =	por !p2, p0  }
0x20: {  	[sflag:s8] =	ssyncset.s32 @!p0 $0xFFFFF086;
	s6 =	sadd.s32 @!p0 s3, s7;
	s7 =	simm.s32 @!p0 $0x108  }
0x21: {  	s3 =	sadd.s32 s3, s9;
	s6 =	sadd.s32 @!p0 $0x88, s6;
	s7 =	simm.s32 @p2 $0x1082  }
0x22: {  	[simem:s7], [sflag:s8] =	dma.local @!p0 [hbm:s6], $0xF7A  }
0x23: {  	s9 =	sor.u32 $0xD0000000, s2;
	s6 =	simm.s32 $0x108;
	_ =	swait.ge @!p0 [sflag:s8], $0x0  }
0x24: {  	s3 =	sadd.s32 $0x88, s3;
	s6 =	simm.s32 @!p1 $0x1082;
	[sflag:s4] =	ssyncset.s32 $0xFFFFF086  }
0x25: {  	[simem:s6], [sflag:s4] =	dma.local [hbm:s3], $0xF7A  }
0x26: {  	[smem:$0x3F95] =	sst s1;
	(tag) =	ssettag s2;
	_ =	strace s9  }
0x27: {  	s1 =	sld [smem:$0x3FA5]  }
0x28: {  	s2 =	sld [smem:$0x3FA6]  }
0x29: {  	s4 =	sld [smem:$0x3FA8]  }
0x2a: {  	p0 =	seq.s32 s5, $0x0;
	s5 =	sld [smem:$0x3FA9]  }
0x2b: {  	s6 =	sld [smem:$0x3FAA]  }
0x2c: {  	s7 =	sld [smem:$0x3FAB]  }
0x2d: {  	s3 =	simm.s32 $0x108;
	s8 =	sld [smem:$0x3FAC]  }
0x2e: {  	s3 =	simm.s32 @!p0 $0x1082;
	s9 =	sld [smem:$0x3FAD]  }
0x2f: {  	lr =	sadd.s32 s0, s3;
	s0 =	sld [smem:$0x3FA4]  }
0x30: {  	s3 =	sld [smem:$0x3FA7]  }
0x31: {  	[smem:$0x3FB0] =	sst s10  }
0x32: {  	s10 =	sld [smem:$0x3FAE];
	_ =	sdelay $0x3  }
0x33: {  	p0 =	seq.s32 s10, $0x1;
	s10 =	sld [smem:$0x3FB0];
	_ =	sdelay $0x3  }
0x34: {  	[smem:$0x3FB0] =	sst s10  }
0x35: {  	s10 =	sld [smem:$0x3FAF];
	_ =	sdelay $0x3  }
0x36: {  	p1 =	seq.s32 s10, $0x1;
	s10 =	sld [smem:$0x3FB0];
	_ =	sdelay $0x3  }
0x37: {  	[smem:$0x3FB0] =	sst s10  }
0x38: {  	s10 =	sld [smem:$0x3FB1]  }
0x39: {  	_ = 	snop;
	(pc) =	sbr.ind lr, $3  }
0x3a: {  	_ = 	snop  }
0x3b: {  	_ = 	snop  }
0x3c: {  	p2 =	seq.s32 s10, $0x1;
	s10 =	sld [smem:$0x3FB0]  }
0x3d: {  	_ =	shalt  }
0x3e: {  	_ =	shalt  }
0x3f: {  	_ =	shalt  }
0x40: {  	_ =	shalt  }
0x41: {  	_ =	shalt  }
0x42: {  	_ =	shalt  }
0x43: {  	_ =	shalt  }
0x44: {  	_ =	shalt  }
0x45: {  	_ =	shalt  }
0x46: {  	_ =	shalt  }
0x47: {  	_ =	shalt  }
0x48: {  	_ =	shalt  }
0x49: {  	_ =	shalt  }
0x4a: {  	_ =	shalt  }
0x4b: {  	_ =	shalt  }
0x4c: {  	_ =	shalt  }
0x4d: {  	_ =	shalt  }
0x4e: {  	_ =	shalt  }
0x4f: {  	_ =	shalt  }
0x50: {  	_ =	shalt  }
0x51: {  	_ =	shalt  }
0x52: {  	_ =	shalt  }
0x53: {  	_ =	shalt  }
0x54: {  	_ =	shalt  }
0x55: {  	_ =	shalt  }
0x56: {  	_ =	shalt  }
0x57: {  	_ =	shalt  }
0x58: {  	_ =	shalt  }
0x59: {  	_ =	shalt  }
0x5a: {  	_ =	shalt  }
0x5b: {  	_ =	shalt  }
0x5c: {  	_ =	shalt  }
0x5d: {  	_ =	shalt  }
0x5e: {  	_ =	shalt  }
0x5f: {  	_ =	shalt  }
0x60: {  	_ =	shalt  }
0x61: {  	_ =	shalt  }
0x62: {  	_ =	shalt  }
0x63: {  	_ =	shalt  }
0x64: {  	_ =	shalt  }
0x65: {  	_ =	shalt  }
0x66: {  	_ =	shalt  }
0x67: {  	_ =	shalt  }
0x68: {  	_ =	shalt  }
0x69: {  	_ =	shalt  }
0x6a: {  	_ =	shalt  }
0x6b: {  	_ =	shalt  }
0x6c: {  	_ =	shalt  }
0x6d: {  	_ =	shalt  }
0x6e: {  	_ =	shalt  }
0x6f: {  	_ =	shalt  }
0x70: {  	_ =	shalt  }
0x71: {  	_ =	shalt  }
0x72: {  	_ =	shalt  }
0x73: {  	_ =	shalt  }
0x74: {  	_ =	shalt  }
0x75: {  	_ =	shalt  }
0x76: {  	_ =	shalt  }
0x77: {  	_ =	shalt  }
0x78: {  	_ =	shalt  }
0x79: {  	_ =	shalt  }
0x7a: {  	_ =	shalt  }
0x7b: {  	_ =	shalt  }
0x7c: {  	_ =	shalt  }
0x7d: {  	_ =	shalt  }
0x7e: {  	_ =	shalt  }
0x7f: {  	_ =	shalt  }
0x80: {  	_ =	shalt  }
0x81: {  	_ =	shalt  }
0x82: {  	_ =	shalt  }
0x83: {  	_ =	shalt  }
0x84: {  	_ =	shalt  }
0x85: {  	_ =	shalt  }
0x86: {  	_ =	shalt  }
0x87: {  	_ =	shalt  }
.Lfunc_end0:
.L_simem_size_0:
called_computation.1_lowered:
.L_overlay_start_0:
0x88: {  	s2 =	sld [smem:$0x3FD9]  }
0x89: {  	s3 =	sld [smem:$0x3FFE];
	_ =	sdelay $0x1  }
0x8a: {  	s1 =	srdreg.scid  }
0x8b: {  	s0 =	sand.u32 $0x1, s1  }
0x8c: {  	s17 =	sshll.u32 s0, $0xA;
	s2 =	sadd.s32 s3, s2  }
0x8d: {  	s2 =	sadd.s32 s2, s17  }
0x8e: {  	[smem:$0x3FBC] =	sst s2  }
0x8f: {  	_ = 	snop  }
0x90: {  	s2 =	sld [smem:$0x3FD0];
	(tm) =	ssettm $0x1  }
0x91: {  	s18 =	sld [smem:$0x3FFB];
	_ =	sdelay $0x3  }
0x92: {  	_ =	strace s18  }
0x93: {  	s3 =	sld [smem:$0x3FFC];
	_ =	sdelay $0x3  }
0x94: {  	_ =	strace s3  }
0x95: {  	s3 =	sld [smem:$0x3FFD];
	_ =	sdelay $0x3  }
0x96: {  	_ =	strace s3  }
0x97: {  	_ =	strace $0x8FFFFFFF  }
0x98: {  	s19 =	sld [smem:$0x3FDB];
	_ =	sdelay $0x1  }
0x99: {  	s4 =	simm.s32 $_scs_section_size  }
0x9a: {  	s5 =	simm.s32 $_size__tile_overlayer_lowered;
	s6 =	simm.s32 $_tile_overlayer_lowered  }
0x9b: {  	s22 =	simm.s32 $0x1BFF;
	s21 =	sshll.u32 s6, $0x1;
	s3 =	sadd.s32 s4, s19  }
0x9c: {  	s7 =	simm.s32 $0x0;
	s20 =	sshll.u32 s5, $0x1;
	s5 =	sadd.s32 s21, s3  }
0x9d: {  	[timem:s7], [sflag:s22] =	dma.local [hbm:s5], s20  }
0x9e: {  	_ =	swait.ge [sflag:s22], s20  }
0x9f: {  	s4 =	ssub.s32 $0x0, s20;
	[sflag:s22] =	ssyncset.done $0x0  }
0xa0: {  	[sflag:s22] =	ssyncadd.s32 s4;
	_ =	sdelay $0x1  }
0xa1: {  	s23 =	simm.s32 $0x1B8B  }
0xa2: {  	_ =	swait.ge [sflag:s23], $0x1  }
0xa3: {  	[sflag:s23] =	ssyncset.done $0x0  }
0xa4: {  	s25 =	simm.s32 $0x1B8E;
	s24 =	sld [smem:$0x3FFE];
	[sflag:s23] =	ssyncadd.s32 $0xFFFFFFFF  }
0xa5: {  	s26 =	simm.s32 $execute0_lowered;
	[smem:$0x3FD2] =	sst s25  }
0xa6: {  	s5 =	sshll.u32 s26, $0x1;
	_ =	strace $0x80000049;
	[dreg:$0x1] =	wrdreg $0xFFFFFFFF  }
0xa7: {  	s28 =	simm.s32 $_size_execute0_lowered;
	s3 =	sadd.s32 s3, s5;
	[dreg:$0x0] =	wrdreg $0x0  }
0xa8: {  	s5 =	sshll.u32 s28, $0x1;
	[dreg:$0x2] =	wrdreg s3  }
0xa9: {  	[dreg:$0x3] =	wrdreg s5  }
0xaa: {  	[dreg:$0x4] =	wrdreg $0xC0  }
0xab: {  	_ =	task [dreg:s7], $0x5FFFF  }
0xac: {  	[dreg:$0x1] =	wrdreg $0xFFFFFFFF  }
0xad: {  	[dreg:$0x0] =	wrdreg $0x60  }
0xae: {  	[dreg:$0x2] =	wrdreg s2  }
0xaf: {  	[dreg:$0x3] =	wrdreg s24  }
0xb0: {  	[dreg:$0x4] =	wrdreg $0xA8000  }
0xb1: {  	[dreg:$0x5] =	wrdreg $0x9  }
0xb2: {  	_ =	task.clear_ibuf [dreg:s7], $0x6FFFF;
	_ =	strace $0x90000049  }
0xb3: {  	s29 =	simm.s32 $0x9;
	_ =	strace $0x8000004B  }
0xb4: {  	_ =	swait.ge [sflag:s29], $0x1  }
0xb5: {  	[sflag:s29] =	ssyncadd.s32 $0xFFFFFFFF  }
0xb6: {  	_ =	strace $0x9000004B  }
0xb7: {  	_ =	sfence  }
0xb8: {  	s30 =	sld [smem:$0x0];
	_ =	sdelay $0x2  }
0xb9: {  	s31 =	sshll.u32 s1, $0xD;
	s1 =	sshrl.u32 s1, $0x2  }
0xba: {  	s3 =	sand.u32 $0x4000, s31;
	s1 =	sadd.s32 s1, s30  }
0xbb: {  	s0 =	sor.u32 s3, s0;
	s1 =	sshll.u32 s1, $0x11  }
0xbc: {  	s0 =	sor.u32 s1, s0  }
0xbd: {  	s0 =	sadd.s32 $0x8F2B, s0  }
0xbe: {  	[sflag:s0] =	ssyncadd.remote.s32 $0x1  }
0xbf: {  	_ =	sfence.sel $0xFFFF  }
0xc0: {  	[dreg:$0x0] =	wrdreg $0xFFFFFFFF;
	(pc) =	sbr.abs _section_cstart, $3  }
0xc1: {  	[dreg:$0x1] =	wrdreg $0xFFFFFFFF  }
0xc2: {  	_ =	task.clear_ibuf [dreg:s7], $0x2FFFF;
	_ =	strace $0x9FFFFFFF  }
0xc3: {  	(tm) =	ssettm $0x7FFFFFFF  }
tec
execute0_lowered:
.L_overlay_start_1:
0x0: {  	(tag) =	ssettag $0x1  }
0x1: {  	s1 =	rddreg [dreg:$0x0]  }
0x2: {  	s6 =	rddreg [dreg:$0x1]  }
0x3: {  	s2 =	rddreg [dreg:$0x2]  }
0x4: {  	s0 =	rddreg [dreg:$0x3];
	s3 =	simm.s32 $0x0  }
0x5: {  	s4 =	srdreg.scid;
	s15 =	simm.s32 $0x1400;
	s16 =	simm.s32 $0x80  }
0x6: {  	s17 =	simm.s32 $0x2800;
	s18 =	simm.s32 $0x6800;
	s19 =	simm.s32 $0x1  }
0x7: {  	s20 =	simm.s32 $0x2;
	s21 =	simm.s32 $0x1380;
	s22 =	simm.s32 $0x2700  }
0x8: {  	s23 =	simm.s32 $0x2780;
	[smem:$0x7FF] =	sst s3;
	s7 =	sand.u32 $0x1, s4  }
0x9: {  	s24 =	simm.s32 $0x0;
	s4 =	stileid.u32;
	s8 =	smul.u32 $0x13C000, s7  }
0xa: {  	s11 =	sadd.s32 $0x61200, s6;
	s12 =	sadd.s32 $0x5200, s6;
	s9 =	smul.u32 $0x13C00, s4  }
0xb: {  	s5 =	sadd.s32 $0xFA00, s6;
	_ =	strace $0x8000004A;
	s25 =	smul.u32 $0x4F000, s4  }
0xc: {  	s10 =	sxor.u32 $0x1, s7;
	s7 =	ssub.s32 $0x2, s7;
	s14 =	smul.u32 $0x50, s4  }
0xd: {  	s30 =	sshll.u32 s4, $0x6;
	s10 =	smul.u32 $0x500, s10;
	s13 =	sshrl.u32 s7, $0x1  }
0xe: {  	s8 =	sadd.s32 s9, s8;
	s13 =	ssub.s32 s7, s13;
	s26 =	sshrl.u32 s25, $0x2  }
0xf: {  	s8 =	sshrl.u32 s8, $0x3;
	s28 =	sadd.s32 s14, s10;
	s29 =	sadd.s32 s26, s2  }
0x10: {  	s14 =	simm.s32 $0x3;
	s8 =	sadd.s32 s8, s6;
	s6 =	sor.u32 $0x1C03, s30  }
0x11: {  	s10 =	sshll.u32 s28, $0x4;
	s7 =	sadd.s32 $0x6B200, s8;
	s8 =	smax.u32 s13, $0x1  }
0x12: {  	s9 =	sadd.s32 s11, s10;
	s31 =	sadd.s32 $0x280, s10;
	s10 =	sadd.s32 s12, s10  }
0x13: {  	s13 =	sshrl.u32 s29, $0x3;
	s11 =	sadd.s32 s11, s31;
	s12 =	sadd.s32 s12, s31  }
.LBB2_1:
0x14: {  	[spmem:s13], [sflag:s6] =	dma.local [hbm:s5], $0x2780  }
0x15: {  	_ =	swait.ge [sflag:s14], $0x2780  }
0x16: {  	[sflag:s14] =	ssyncset.done $0x0  }
0x17: {  	[sflag:s14] =	ssyncadd.s32 $0xFFFFD880  }
0x18: {  	[bflag:$0x0] =	sbarrier.arrive $0xFFFF  }
0x19: {  	[tilespmem:s3], [sflag:$0x3] =	stream.linear.gather [hbm4b:s9+s3], $0x1400, $0x38;
	[tilespmem:$0x1E400] =	vst v63  }
0x1a: {  	_ =	swait.ge [sflag:s14], $0x1400  }
0x1b: {  	[sflag:s14] =	ssyncset.done $0x0  }
0x1c: {  	[sflag:s14] =	ssyncadd.s32 $0xFFFFEC00  }
0x1d: {  	[tilespmem:s15], [sflag:$0x3] =	stream.linear.gather [hbm4b:s10+s3], $0x1400, $0x38;
	[tilespmem:$0x1E400] =	vst v63  }
0x1e: {  	_ =	swait.ge [sflag:s14], $0x1400  }
0x1f: {  	[sflag:s14] =	ssyncset.done $0x0  }
0x20: {  	[sflag:s14] =	ssyncadd.s32 $0xFFFFEC00  }
0x21: {  	[tilespmem:s17], [sflag:$0x1] =	stream.indirect.gather [hbm4b:s1+s16], $0x80, s3, s16, $0xb8;
	[tilespmem:$0x1E400] =	vst v63  }
0x22: {  	s25 =	simm.s32 $0x80  }
0x23: {  	[tilespmem:s18], [sflag:$0x2] =	stream.indirect.gather [hbm4b:s1+s16], $0x80, s25, s16, $0xb8;
	[tilespmem:$0x1E400] =	vst v63  }
0x24: {  	_ =	swait.ge [sflag:s19], $0x4000  }
0x25: {  	[sflag:s19] =	ssyncset.done $0x0  }
0x26: {  	s29 =	simm.s32 $0x1400;
	[sflag:s19] =	ssyncadd.s32 $0xFFFFC000  }
0x27: {  	[spmem:s2] =	stream.indirect.scatter.add.f32 [tilespmem:s17], [sflag:$0x3], $0x80, s29, s16, $0xb8;
	[tilespmem:$0x1E400] =	vst v63  }
0x28: {  	_ =	swait.ge [sflag:s14], $0x4000  }
0x29: {  	[sflag:s14] =	ssyncset.done $0x0  }
0x2a: {  	s30 =	simm.s32 $0x100;
	[sflag:s14] =	ssyncadd.s32 $0xFFFFC000  }
0x2b: {  	[tilespmem:s17], [sflag:$0x1] =	stream.indirect.gather [hbm4b:s1+s16], $0x80, s30, s16, $0xb8;
	[tilespmem:$0x1E400] =	vst v63  }
0x2c: {  	_ =	swait.ge [sflag:s20], $0x4000  }
0x2d: {  	[sflag:s20] =	ssyncset.done $0x0  }
0x2e: {  	s31 =	simm.s32 $0x1480;
	[sflag:s20] =	ssyncadd.s32 $0xFFFFC000  }
0x2f: {  	[spmem:s2] =	stream.indirect.scatter.add.f32 [tilespmem:s18], [sflag:$0x3], $0x80, s31, s16, $0xb8;
	[tilespmem:$0x1E400] =	vst v63  }
0x30: {  	_ =	swait.ge [sflag:s14], $0x4000  }
0x31: {  	s26 =	simm.s32 $0x800;
	s25 =	simm.s32 $0x100;
	[sflag:s14] =	ssyncset.done $0x0  }
.LBB2_2:
0x32: {  	s28 =	sadd.s32 $0x80, s25  }
0x33: {  	[sflag:s14] =	ssyncadd.s32 $0xFFFFC000;
	s29 =	smov.u32 s26;
	s30 =	sadd.s32 $0x400, s26  }
0x34: {  	[tilespmem:s18], [sflag:$0x2] =	stream.indirect.gather [hbm4b:s1+s16], $0x80, s28, s16, $0xb8;
	[tilespmem:$0x1E400] =	vst v63  }
0x35: {  	p0 =	sne.s32 s26, $0x4800;
	_ =	swait.ge [sflag:s19], $0x4000  }
0x36: {  	[sflag:s19] =	ssyncset.done $0x0  }
0x37: {  	s26 =	sadd.s32 $0x1400, s25;
	[sflag:s19] =	ssyncadd.s32 $0xFFFFC000  }
0x38: {  	[spmem:s2] =	stream.indirect.scatter.add.f32 [tilespmem:s17], [sflag:$0x3], $0x80, s26, s16, $0xb8;
	[tilespmem:$0x1E400] =	vst v63  }
0x39: {  	_ =	swait.ge [sflag:s14], $0x4000  }
0x3a: {  	[sflag:s14] =	ssyncset.done $0x0  }
0x3b: {  	s26 =	sadd.s32 $0x100, s25;
	[sflag:s14] =	ssyncadd.s32 $0xFFFFC000  }
0x3c: {  	[tilespmem:s17], [sflag:$0x1] =	stream.indirect.gather [hbm4b:s1+s16], $0x80, s26, s16, $0xb8;
	[tilespmem:$0x1E400] =	vst v63  }
0x3d: {  	_ =	swait.ge [sflag:s20], $0x4000  }
.Ltmp0:
0x3e: {  	[sflag:s20] =	ssyncset.done $0x0;
	(pc) =	sbr.rel @p0 .LBB2_2-.Ltmp0, $4  }
0x3f: {  	s25 =	sadd.s32 $0x1480, s25;
	[sflag:s20] =	ssyncadd.s32 $0xFFFFC000  }
0x40: {  	[spmem:s2] =	stream.indirect.scatter.add.f32 [tilespmem:s18], [sflag:$0x3], $0x80, s25, s16, $0xb8;
	[tilespmem:$0x1E400] =	vst v63  }
0x41: {  	_ =	swait.ge [sflag:s14], $0x4000  }
0x42: {  	s26 =	smov.u32 s30;
	s25 =	sshra.s32 s29, $0x2;
	[sflag:s14] =	ssyncset.done $0x0  }
0x43: {  	s26 =	sadd.s32 $0x80, s25;
	[sflag:s14] =	ssyncadd.s32 $0xFFFFC000  }
0x44: {  	[tilespmem:s18], [sflag:$0x2] =	stream.indirect.gather [hbm4b:s1+s16], $0x80, s26, s16, $0xb8;
	[tilespmem:$0x1E400] =	vst v63  }
0x45: {  	_ =	swait.ge [sflag:s19], $0x4000  }
0x46: {  	[sflag:s19] =	ssyncset.done $0x0  }
0x47: {  	s29 =	sadd.s32 $0x1400, s25;
	[sflag:s19] =	ssyncadd.s32 $0xFFFFC000  }
0x48: {  	[spmem:s2] =	stream.indirect.scatter.add.f32 [tilespmem:s17], [sflag:$0x3], $0x80, s29, s16, $0xb8;
	[tilespmem:$0x1E400] =	vst v63  }
0x49: {  	_ =	swait.ge [sflag:s14], $0x4000  }
0x4a: {  	[sflag:s14] =	ssyncset.done $0x0  }
0x4b: {  	s30 =	sadd.s32 $0x100, s25;
	[sflag:s14] =	ssyncadd.s32 $0xFFFFC000  }
0x4c: {  	[tilespmem:s17], [sflag:$0x1] =	stream.indirect.gather [hbm4b:s1+s16], $0x80, s30, s16, $0xb8;
	[tilespmem:$0x1E400] =	vst v63  }
0x4d: {  	_ =	swait.ge [sflag:s20], $0x4000  }
0x4e: {  	[sflag:s20] =	ssyncset.done $0x0  }
0x4f: {  	s31 =	sadd.s32 $0x1480, s25;
	[sflag:s20] =	ssyncadd.s32 $0xFFFFC000  }
0x50: {  	[spmem:s2] =	stream.indirect.scatter.add.f32 [tilespmem:s18], [sflag:$0x3], $0x80, s31, s16, $0xb8;
	[tilespmem:$0x1E400] =	vst v63  }
0x51: {  	_ =	swait.ge [sflag:s14], $0x4000  }
0x52: {  	[sflag:s14] =	ssyncset.done $0x0  }
0x53: {  	[sflag:s14] =	ssyncadd.s32 $0xFFFFC000  }
0x54: {  	[tilespmem:s18], [sflag:$0x2] =	stream.indirect.gather [hbm4b:s1+s16], $0x80, s21, s16, $0xb8;
	[tilespmem:$0x1E400] =	vst v63  }
0x55: {  	_ =	swait.ge [sflag:s19], $0x4000  }
0x56: {  	[sflag:s19] =	ssyncset.done $0x0  }
0x57: {  	[sflag:s19] =	ssyncadd.s32 $0xFFFFC000  }
0x58: {  	[spmem:s2] =	stream.indirect.scatter.add.f32 [tilespmem:s17], [sflag:$0x3], $0x80, s22, s16, $0xb8;
	[tilespmem:$0x1E400] =	vst v63  }
0x59: {  	_ =	swait.ge [sflag:s14], $0x4000  }
0x5a: {  	[sflag:s14] =	ssyncset.done $0x0  }
0x5b: {  	[sflag:s14] =	ssyncadd.s32 $0xFFFFC000  }
0x5c: {  	_ =	swait.ge [sflag:s20], $0x4000  }
0x5d: {  	[sflag:s20] =	ssyncset.done $0x0  }
0x5e: {  	[sflag:s20] =	ssyncadd.s32 $0xFFFFC000  }
0x5f: {  	[spmem:s2] =	stream.indirect.scatter.add.f32 [tilespmem:s18], [sflag:$0x3], $0x80, s23, s16, $0xb8;
	[tilespmem:$0x1E400] =	vst v63  }
0x60: {  	_ =	swait.ge [sflag:s14], $0x4000  }
0x61: {  	[sflag:s14] =	ssyncset.done $0x0  }
0x62: {  	s26 =	simm.s32 $0x0;
	[sflag:s14] =	ssyncadd.s32 $0xFFFFC000  }
0x63: {  	[tilespmem:s26], [sflag:$0x3] =	stream.linear.gather [hbm4b:s11+s26], $0x1400, $0x38;
	[tilespmem:$0x1E400] =	vst v63  }
0x64: {  	_ =	swait.ge [sflag:s14], $0x1400  }
0x65: {  	[sflag:s14] =	ssyncset.done $0x0  }
0x66: {  	[sflag:s14] =	ssyncadd.s32 $0xFFFFEC00  }
0x67: {  	[tilespmem:s15], [sflag:$0x3] =	stream.linear.gather [hbm4b:s12+s26], $0x1400, $0x38;
	[tilespmem:$0x1E400] =	vst v63  }
0x68: {  	_ =	swait.ge [sflag:s14], $0x1400  }
0x69: {  	[sflag:s14] =	ssyncset.done $0x0  }
0x6a: {  	[sflag:s14] =	ssyncadd.s32 $0xFFFFEC00  }
0x6b: {  	[tilespmem:s17], [sflag:$0x1] =	stream.indirect.gather [hbm4b:s1+s16], $0x80, s26, s16, $0xb8;
	[tilespmem:$0x1E400] =	vst v63  }
0x6c: {  	s28 =	simm.s32 $0x80  }
0x6d: {  	[tilespmem:s18], [sflag:$0x2] =	stream.indirect.gather [hbm4b:s1+s16], $0x80, s28, s16, $0xb8;
	[tilespmem:$0x1E400] =	vst v63  }
0x6e: {  	_ =	swait.ge [sflag:s19], $0x4000  }
0x6f: {  	[sflag:s19] =	ssyncset.done $0x0  }
0x70: {  	s29 =	simm.s32 $0x1400;
	[sflag:s19] =	ssyncadd.s32 $0xFFFFC000  }
0x71: {  	[spmem:s2] =	stream.indirect.scatter.add.f32 [tilespmem:s17], [sflag:$0x3], $0x80, s29, s16, $0xb8;
	[tilespmem:$0x1E400] =	vst v63  }
0x72: {  	_ =	swait.ge [sflag:s14], $0x4000  }
0x73: {  	[sflag:s14] =	ssyncset.done $0x0  }
0x74: {  	s30 =	simm.s32 $0x100;
	[sflag:s14] =	ssyncadd.s32 $0xFFFFC000  }
0x75: {  	[tilespmem:s17], [sflag:$0x1] =	stream.indirect.gather [hbm4b:s1+s16], $0x80, s30, s16, $0xb8;
	[tilespmem:$0x1E400] =	vst v63  }
0x76: {  	_ =	swait.ge [sflag:s20], $0x4000  }
0x77: {  	[sflag:s20] =	ssyncset.done $0x0  }
0x78: {  	s31 =	simm.s32 $0x1480;
	[sflag:s20] =	ssyncadd.s32 $0xFFFFC000  }
0x79: {  	[spmem:s2] =	stream.indirect.scatter.add.f32 [tilespmem:s18], [sflag:$0x3], $0x80, s31, s16, $0xb8;
	[tilespmem:$0x1E400] =	vst v63  }
0x7a: {  	_ =	swait.ge [sflag:s14], $0x4000  }
0x7b: {  	s25 =	simm.s32 $0x100;
	s26 =	simm.s32 $0x800;
	[sflag:s14] =	ssyncset.done $0x0  }
.LBB2_4:
0x7c: {  	s28 =	sadd.s32 $0x80, s25  }
0x7d: {  	[sflag:s14] =	ssyncadd.s32 $0xFFFFC000;
	s29 =	smov.u32 s26;
	s30 =	sadd.s32 $0x400, s26  }
0x7e: {  	[tilespmem:s18], [sflag:$0x2] =	stream.indirect.gather [hbm4b:s1+s16], $0x80, s28, s16, $0xb8;
	[tilespmem:$0x1E400] =	vst v63  }
0x7f: {  	p0 =	sne.s32 s26, $0x4800;
	_ =	swait.ge [sflag:s19], $0x4000  }
0x80: {  	[sflag:s19] =	ssyncset.done $0x0  }
0x81: {  	s26 =	sadd.s32 $0x1400, s25;
	[sflag:s19] =	ssyncadd.s32 $0xFFFFC000  }
0x82: {  	[spmem:s2] =	stream.indirect.scatter.add.f32 [tilespmem:s17], [sflag:$0x3], $0x80, s26, s16, $0xb8;
	[tilespmem:$0x1E400] =	vst v63  }
0x83: {  	_ =	swait.ge [sflag:s14], $0x4000  }
0x84: {  	[sflag:s14] =	ssyncset.done $0x0  }
0x85: {  	s26 =	sadd.s32 $0x100, s25;
	[sflag:s14] =	ssyncadd.s32 $0xFFFFC000  }
0x86: {  	[tilespmem:s17], [sflag:$0x1] =	stream.indirect.gather [hbm4b:s1+s16], $0x80, s26, s16, $0xb8;
	[tilespmem:$0x1E400] =	vst v63  }
0x87: {  	_ =	swait.ge [sflag:s20], $0x4000  }
.Ltmp1:
0x88: {  	[sflag:s20] =	ssyncset.done $0x0;
	(pc) =	sbr.rel @p0 .LBB2_4-.Ltmp1, $4  }
0x89: {  	s25 =	sadd.s32 $0x1480, s25;
	[sflag:s20] =	ssyncadd.s32 $0xFFFFC000  }
0x8a: {  	[spmem:s2] =	stream.indirect.scatter.add.f32 [tilespmem:s18], [sflag:$0x3], $0x80, s25, s16, $0xb8;
	[tilespmem:$0x1E400] =	vst v63  }
0x8b: {  	_ =	swait.ge [sflag:s14], $0x4000  }
0x8c: {  	s26 =	smov.u32 s30;
	s25 =	sshra.s32 s29, $0x2;
	[sflag:s14] =	ssyncset.done $0x0  }
0x8d: {  	s26 =	sadd.s32 $0x80, s25;
	[sflag:s14] =	ssyncadd.s32 $0xFFFFC000  }
0x8e: {  	[tilespmem:s18], [sflag:$0x2] =	stream.indirect.gather [hbm4b:s1+s16], $0x80, s26, s16, $0xb8;
	[tilespmem:$0x1E400] =	vst v63  }
0x8f: {  	_ =	swait.ge [sflag:s19], $0x4000  }
0x90: {  	[sflag:s19] =	ssyncset.done $0x0  }
0x91: {  	s29 =	sadd.s32 $0x1400, s25;
	[sflag:s19] =	ssyncadd.s32 $0xFFFFC000  }
0x92: {  	[spmem:s2] =	stream.indirect.scatter.add.f32 [tilespmem:s17], [sflag:$0x3], $0x80, s29, s16, $0xb8;
	[tilespmem:$0x1E400] =	vst v63  }
0x93: {  	_ =	swait.ge [sflag:s14], $0x4000  }
0x94: {  	[sflag:s14] =	ssyncset.done $0x0  }
0x95: {  	s30 =	sadd.s32 $0x100, s25;
	[sflag:s14] =	ssyncadd.s32 $0xFFFFC000  }
0x96: {  	[tilespmem:s17], [sflag:$0x1] =	stream.indirect.gather [hbm4b:s1+s16], $0x80, s30, s16, $0xb8;
	[tilespmem:$0x1E400] =	vst v63  }
0x97: {  	_ =	swait.ge [sflag:s20], $0x4000  }
0x98: {  	[sflag:s20] =	ssyncset.done $0x0  }
0x99: {  	s31 =	sadd.s32 $0x1480, s25;
	[sflag:s20] =	ssyncadd.s32 $0xFFFFC000  }
0x9a: {  	[spmem:s2] =	stream.indirect.scatter.add.f32 [tilespmem:s18], [sflag:$0x3], $0x80, s31, s16, $0xb8;
	[tilespmem:$0x1E400] =	vst v63  }
0x9b: {  	_ =	swait.ge [sflag:s14], $0x4000  }
0x9c: {  	[sflag:s14] =	ssyncset.done $0x0  }
0x9d: {  	[sflag:s14] =	ssyncadd.s32 $0xFFFFC000  }
0x9e: {  	[tilespmem:s18], [sflag:$0x2] =	stream.indirect.gather [hbm4b:s1+s16], $0x80, s21, s16, $0xb8;
	[tilespmem:$0x1E400] =	vst v63  }
0x9f: {  	_ =	swait.ge [sflag:s19], $0x4000  }
0xa0: {  	[sflag:s19] =	ssyncset.done $0x0  }
0xa1: {  	[sflag:s19] =	ssyncadd.s32 $0xFFFFC000  }
0xa2: {  	[spmem:s2] =	stream.indirect.scatter.add.f32 [tilespmem:s17], [sflag:$0x3], $0x80, s22, s16, $0xb8;
	[tilespmem:$0x1E400] =	vst v63  }
0xa3: {  	_ =	swait.ge [sflag:s14], $0x4000  }
0xa4: {  	[sflag:s14] =	ssyncset.done $0x0  }
0xa5: {  	[sflag:s14] =	ssyncadd.s32 $0xFFFFC000  }
0xa6: {  	_ =	swait.ge [sflag:s20], $0x4000  }
0xa7: {  	[sflag:s20] =	ssyncset.done $0x0  }
0xa8: {  	[sflag:s20] =	ssyncadd.s32 $0xFFFFC000  }
0xa9: {  	[spmem:s2] =	stream.indirect.scatter.add.f32 [tilespmem:s18], [sflag:$0x3], $0x80, s23, s16, $0xb8;
	[tilespmem:$0x1E400] =	vst v63  }
0xaa: {  	_ =	swait.ge [sflag:s14], $0x4000  }
0xab: {  	s24 =	sadd.s32 $0x1, s24;
	[sflag:s14] =	ssyncset.done $0x0  }
0xac: {  	p0 =	sne.s32 s24, s8;
	[sflag:s14] =	ssyncadd.s32 $0xFFFFC000  }
.Ltmp2:
0xad: {  	[bflag:$0x0] =	sbarrier.arrive $0xFFFF;
	(pc) =	sbr.rel @p0 .LBB2_1-.Ltmp2, $4  }
0xae: {  	[hbm:s7], [sflag:s6] =	dma.local [spmem:s13], $0x2780  }
0xaf: {  	_ =	swait.ge [sflag:s14], $0x2780  }
0xb0: {  	[sflag:s14] =	ssyncset.done $0x0  }
0xb1: {  	[sflag:s14] =	ssyncadd.s32 $0xFFFFD880  }
0xb2: {  	_ =	sfence.sel $0x180000  }
0xb3: {  	[bflag:$0x0] =	sbarrier.arrive $0xFFFF  }
0xb4: {  	p0 =	sne.s32 s4, $0x0;
	_ =	strace $0x9000004A  }
0xb5: {  	s0 =	sadd.s32 @!p0 $0x100000, s0;
	[bflag:$0x2] =	sbarrier.arrive $0xFFFF  }
0xb6: {  	[sflag:s0] =	ssyncadd.tile.s32 @!p0 $0x1;
	_ =	shalt  }
.Lfunc_end2:
_tile_overlayer_lowered:
.L_overlay_start_2:
0xb7: {  	(tag) =	ssettag $0x2  }
0xb8: {  	s0 =	rddreg [dreg:$0x0];
	s2 =	stileid.u32  }
0xb9: {  	s1 =	rddreg [dreg:$0x1];
	p0 =	sne.s32 s2, $0x0  }
0xba: {  	s3 =	rddreg [dreg:$0x2];
	[bflag:$0x3] =	sbarrier.arrive $0xFFFF;
	s2 =	simm.s32 @!p0 $0x1C03  }
0xbb: {  	[timem:s3], [sflag:s2] =	dma.local @!p0 [hbm:s0], s1  }
0xbc: {  	s0 =	simm.s32 @!p0 $0x3  }
0xbd: {  	_ =	swait.ge @!p0 [sflag:s0], s1  }
0xbe: {  	s1 =	ssub.s32 @!p0 $0x0, s1;
	[sflag:s0] =	ssyncset.done @!p0 $0x0  }
0xbf: {  	[sflag:s0] =	ssyncadd.s32 @!p0 s1  }
0xc0: {  	[bflag:$0x3] =	sbarrier.arrive $0xFFFF  }
0xc1: {  	_ =	shalt  }

// kernel: kernel.16.cloned.1.call-start
scs
__scs_entry_jumppad:
0x0: {  	(pc) =	sbr.rel $0x88, $3  }
0x1: {  	(tag) =	ssettag $0x0;
	lr =	simm.s32 $0x1  }
0x2: {  	[smem:$0x3F95] =	sst lr;
	_ =	strace $0xD0000000  }
0x3: {  	_ = 	snop  }
0x4: {  	_ = 	snop  }
0x5: {  	_ = 	snop  }
0x6: {  	_ = 	snop  }
0x7: {  	_ = 	snop  }
__scs_overlays_trampoline_lowered:
0x8: {  	[smem:$0x3FA4] =	sst s0  }
0x9: {  	[smem:$0x3FA5] =	sst s1  }
0xa: {  	[smem:$0x3FA6] =	sst s2  }
0xb: {  	[smem:$0x3FA7] =	sst s3  }
0xc: {  	[smem:$0x3FA8] =	sst s4  }
0xd: {  	[smem:$0x3FA9] =	sst s5  }
0xe: {  	[smem:$0x3FAA] =	sst s6  }
0xf: {  	[smem:$0x3FAB] =	sst s7  }
0x10: {  	[smem:$0x3FAC] =	sst s8  }
0x11: {  	[smem:$0x3FAD] =	sst s9;
	s0 =	simm.s32 @!p0 $0x0  }
0x12: {  	s1 =	sld [smem:$0x3F93];
	s0 =	simm.s32 @p0 $0x1  }
0x13: {  	[smem:$0x3FAE] =	sst s0;
	s0 =	simm.s32 @!p1 $0x0  }
0x14: {  	s2 =	sld [smem:$0x3F92];
	s0 =	simm.s32 @p1 $0x1  }
0x15: {  	[smem:$0x3FAF] =	sst s0;
	s0 =	simm.s32 @!p2 $0x0  }
0x16: {  	s3 =	sld [smem:$0x3FDB];
	s0 =	simm.s32 @p2 $0x1  }
0x17: {  	s4 =	simm.s32 $0x1BF5;
	[smem:$0x3FB1] =	sst s0  }
0x18: {  	s0 =	sld [smem:$0x3F94];
	_ =	swait.ge [sflag:s4], $0x0  }
0x19: {  	s7 =	sld [smem:$0x3F95]  }
0x1a: {  	s8 =	sadd.s32 $0xFFFFE003, lr  }
0x1b: {  	s9 =	sadd.s32 $0xFFFFFEF7, lr;
	s5 =	simm.s32 $0xFFFFFFFF;
	p2 =	slt.u32 s8, $0xFFFFF086  }
0x1c: {  	p1 =	slt.u32 s9, $0xF7A;
	s5 =	simm.s32 @!p2 $0x0  }
0x1d: {  	s5 =	simm.s32 @p1 $0x1;
	p0 =	seq.s32 s7, s2  }
0x1e: {  	s7 =	smul.u32 @!p0 $0xF7A, s2;
	p2 =	seq.s32 @!p0 s5, $0x0  }
0x1f: {  	s9 =	smul.u32 $0xF7A, s1;
	s8 =	simm.s32 @!p0 $0x1BF5;
	p2 =	por !p2, p0  }
0x20: {  	[sflag:s8] =	ssyncset.s32 @!p0 $0xFFFFF086;
	s6 =	sadd.s32 @!p0 s3, s7;
	s7 =	simm.s32 @!p0 $0x108  }
0x21: {  	s3 =	sadd.s32 s3, s9;
	s6 =	sadd.s32 @!p0 $0x88, s6;
	s7 =	simm.s32 @p2 $0x1082  }
0x22: {  	[simem:s7], [sflag:s8] =	dma.local @!p0 [hbm:s6], $0xF7A  }
0x23: {  	s9 =	sor.u32 $0xD0000000, s2;
	s6 =	simm.s32 $0x108;
	_ =	swait.ge @!p0 [sflag:s8], $0x0  }
0x24: {  	s3 =	sadd.s32 $0x88, s3;
	s6 =	simm.s32 @!p1 $0x1082;
	[sflag:s4] =	ssyncset.s32 $0xFFFFF086  }
0x25: {  	[simem:s6], [sflag:s4] =	dma.local [hbm:s3], $0xF7A  }
0x26: {  	[smem:$0x3F95] =	sst s1;
	(tag) =	ssettag s2;
	_ =	strace s9  }
0x27: {  	s1 =	sld [smem:$0x3FA5]  }
0x28: {  	s2 =	sld [smem:$0x3FA6]  }
0x29: {  	s4 =	sld [smem:$0x3FA8]  }
0x2a: {  	p0 =	seq.s32 s5, $0x0;
	s5 =	sld [smem:$0x3FA9]  }
0x2b: {  	s6 =	sld [smem:$0x3FAA]  }
0x2c: {  	s7 =	sld [smem:$0x3FAB]  }
0x2d: {  	s3 =	simm.s32 $0x108;
	s8 =	sld [smem:$0x3FAC]  }
0x2e: {  	s3 =	simm.s32 @!p0 $0x1082;
	s9 =	sld [smem:$0x3FAD]  }
0x2f: {  	lr =	sadd.s32 s0, s3;
	s0 =	sld [smem:$0x3FA4]  }
0x30: {  	s3 =	sld [smem:$0x3FA7]  }
0x31: {  	[smem:$0x3FB0] =	sst s10  }
0x32: {  	s10 =	sld [smem:$0x3FAE];
	_ =	sdelay $0x3  }
0x33: {  	p0 =	seq.s32 s10, $0x1;
	s10 =	sld [smem:$0x3FB0];
	_ =	sdelay $0x3  }
0x34: {  	[smem:$0x3FB0] =	sst s10  }
0x35: {  	s10 =	sld [smem:$0x3FAF];
	_ =	sdelay $0x3  }
0x36: {  	p1 =	seq.s32 s10, $0x1;
	s10 =	sld [smem:$0x3FB0];
	_ =	sdelay $0x3  }
0x37: {  	[smem:$0x3FB0] =	sst s10  }
0x38: {  	s10 =	sld [smem:$0x3FB1]  }
0x39: {  	_ = 	snop;
	(pc) =	sbr.ind lr, $3  }
0x3a: {  	_ = 	snop  }
0x3b: {  	_ = 	snop  }
0x3c: {  	p2 =	seq.s32 s10, $0x1;
	s10 =	sld [smem:$0x3FB0]  }
0x3d: {  	_ =	shalt  }
0x3e: {  	_ =	shalt  }
0x3f: {  	_ =	shalt  }
0x40: {  	_ =	shalt  }
0x41: {  	_ =	shalt  }
0x42: {  	_ =	shalt  }
0x43: {  	_ =	shalt  }
0x44: {  	_ =	shalt  }
0x45: {  	_ =	shalt  }
0x46: {  	_ =	shalt  }
0x47: {  	_ =	shalt  }
0x48: {  	_ =	shalt  }
0x49: {  	_ =	shalt  }
0x4a: {  	_ =	shalt  }
0x4b: {  	_ =	shalt  }
0x4c: {  	_ =	shalt  }
0x4d: {  	_ =	shalt  }
0x4e: {  	_ =	shalt  }
0x4f: {  	_ =	shalt  }
0x50: {  	_ =	shalt  }
0x51: {  	_ =	shalt  }
0x52: {  	_ =	shalt  }
0x53: {  	_ =	shalt  }
0x54: {  	_ =	shalt  }
0x55: {  	_ =	shalt  }
0x56: {  	_ =	shalt  }
0x57: {  	_ =	shalt  }
0x58: {  	_ =	shalt  }
0x59: {  	_ =	shalt  }
0x5a: {  	_ =	shalt  }
0x5b: {  	_ =	shalt  }
0x5c: {  	_ =	shalt  }
0x5d: {  	_ =	shalt  }
0x5e: {  	_ =	shalt  }
0x5f: {  	_ =	shalt  }
0x60: {  	_ =	shalt  }
0x61: {  	_ =	shalt  }
0x62: {  	_ =	shalt  }
0x63: {  	_ =	shalt  }
0x64: {  	_ =	shalt  }
0x65: {  	_ =	shalt  }
0x66: {  	_ =	shalt  }
0x67: {  	_ =	shalt  }
0x68: {  	_ =	shalt  }
0x69: {  	_ =	shalt  }
0x6a: {  	_ =	shalt  }
0x6b: {  	_ =	shalt  }
0x6c: {  	_ =	shalt  }
0x6d: {  	_ =	shalt  }
0x6e: {  	_ =	shalt  }
0x6f: {  	_ =	shalt  }
0x70: {  	_ =	shalt  }
0x71: {  	_ =	shalt  }
0x72: {  	_ =	shalt  }
0x73: {  	_ =	shalt  }
0x74: {  	_ =	shalt  }
0x75: {  	_ =	shalt  }
0x76: {  	_ =	shalt  }
0x77: {  	_ =	shalt  }
0x78: {  	_ =	shalt  }
0x79: {  	_ =	shalt  }
0x7a: {  	_ =	shalt  }
0x7b: {  	_ =	shalt  }
0x7c: {  	_ =	shalt  }
0x7d: {  	_ =	shalt  }
0x7e: {  	_ =	shalt  }
0x7f: {  	_ =	shalt  }
0x80: {  	_ =	shalt  }
0x81: {  	_ =	shalt  }
0x82: {  	_ =	shalt  }
0x83: {  	_ =	shalt  }
0x84: {  	_ =	shalt  }
0x85: {  	_ =	shalt  }
0x86: {  	_ =	shalt  }
0x87: {  	_ =	shalt  }
.Lfunc_end0:
.L_simem_size_0:
called_computation.2_lowered:
.L_overlay_start_0:
0x88: {  	s2 =	sld [smem:$0x3FD9]  }
0x89: {  	s3 =	sld [smem:$0x3FFE];
	_ =	sdelay $0x1  }
0x8a: {  	s1 =	srdreg.scid  }
0x8b: {  	s0 =	sand.u32 $0x1, s1  }
0x8c: {  	s17 =	sshll.u32 s0, $0xA;
	s2 =	sadd.s32 s3, s2  }
0x8d: {  	s2 =	sadd.s32 s2, s17  }
0x8e: {  	[smem:$0x3FBC] =	sst s2  }
0x8f: {  	_ = 	snop  }
0x90: {  	s2 =	sld [smem:$0x3FD0];
	(tm) =	ssettm $0x1  }
0x91: {  	s18 =	sld [smem:$0x3FFB];
	_ =	sdelay $0x3  }
0x92: {  	_ =	strace s18  }
0x93: {  	s3 =	sld [smem:$0x3FFC];
	_ =	sdelay $0x3  }
0x94: {  	_ =	strace s3  }
0x95: {  	s3 =	sld [smem:$0x3FFD];
	_ =	sdelay $0x3  }
0x96: {  	_ =	strace s3  }
0x97: {  	_ =	strace $0x8FFFFFFF  }
0x98: {  	s19 =	sld [smem:$0x3FDB];
	_ =	sdelay $0x1  }
0x99: {  	s4 =	simm.s32 $_scs_section_size  }
0x9a: {  	s5 =	simm.s32 $_size__tile_overlayer_lowered;
	s6 =	simm.s32 $_tile_overlayer_lowered  }
0x9b: {  	s22 =	simm.s32 $0x1BFF;
	s21 =	sshll.u32 s6, $0x1;
	s3 =	sadd.s32 s4, s19  }
0x9c: {  	s7 =	simm.s32 $0x0;
	s20 =	sshll.u32 s5, $0x1;
	s5 =	sadd.s32 s21, s3  }
0x9d: {  	[timem:s7], [sflag:s22] =	dma.local [hbm:s5], s20  }
0x9e: {  	_ =	swait.ge [sflag:s22], s20  }
0x9f: {  	s4 =	ssub.s32 $0x0, s20;
	[sflag:s22] =	ssyncset.done $0x0  }
0xa0: {  	[sflag:s22] =	ssyncadd.s32 s4;
	_ =	sdelay $0x1  }
0xa1: {  	s23 =	simm.s32 $0x1B8B  }
0xa2: {  	_ =	swait.ge [sflag:s23], $0x1  }
0xa3: {  	[sflag:s23] =	ssyncset.done $0x0  }
0xa4: {  	s25 =	simm.s32 $0x1B8E;
	s24 =	sld [smem:$0x3FFE];
	[sflag:s23] =	ssyncadd.s32 $0xFFFFFFFF  }
0xa5: {  	s26 =	simm.s32 $execute0_lowered;
	[smem:$0x3FD2] =	sst s25  }
0xa6: {  	s5 =	sshll.u32 s26, $0x1;
	_ =	strace $0x8000004C;
	[dreg:$0x1] =	wrdreg $0xFFFFFFFF  }
0xa7: {  	s28 =	simm.s32 $_size_execute0_lowered;
	s3 =	sadd.s32 s3, s5;
	[dreg:$0x0] =	wrdreg $0x0  }
0xa8: {  	s5 =	sshll.u32 s28, $0x1;
	[dreg:$0x2] =	wrdreg s3  }
0xa9: {  	[dreg:$0x3] =	wrdreg s5  }
0xaa: {  	[dreg:$0x4] =	wrdreg $0xC0  }
0xab: {  	_ =	task [dreg:s7], $0x5FFFF  }
0xac: {  	[dreg:$0x1] =	wrdreg $0xFFFFFFFF  }
0xad: {  	[dreg:$0x0] =	wrdreg $0x60  }
0xae: {  	[dreg:$0x2] =	wrdreg s2  }
0xaf: {  	[dreg:$0x3] =	wrdreg s24  }
0xb0: {  	[dreg:$0x4] =	wrdreg $0xA8000  }
0xb1: {  	[dreg:$0x5] =	wrdreg $0x9  }
0xb2: {  	_ =	task.clear_ibuf [dreg:s7], $0x6FFFF;
	_ =	strace $0x9000004C  }
0xb3: {  	s29 =	simm.s32 $0x9;
	_ =	strace $0x8000004E  }
0xb4: {  	_ =	swait.ge [sflag:s29], $0x1  }
0xb5: {  	[sflag:s29] =	ssyncadd.s32 $0xFFFFFFFF  }
0xb6: {  	_ =	strace $0x9000004E  }
0xb7: {  	_ =	sfence  }
0xb8: {  	s30 =	sld [smem:$0x0];
	_ =	sdelay $0x2  }
0xb9: {  	s31 =	sshll.u32 s1, $0xD;
	s1 =	sshrl.u32 s1, $0x2  }
0xba: {  	s3 =	sand.u32 $0x4000, s31;
	s1 =	sadd.s32 s1, s30  }
0xbb: {  	s0 =	sor.u32 s3, s0;
	s1 =	sshll.u32 s1, $0x11  }
0xbc: {  	s0 =	sor.u32 s1, s0  }
0xbd: {  	s0 =	sadd.s32 $0x8F2B, s0  }
0xbe: {  	[sflag:s0] =	ssyncadd.remote.s32 $0x1  }
0xbf: {  	_ =	sfence.sel $0xFFFF  }
0xc0: {  	[dreg:$0x0] =	wrdreg $0xFFFFFFFF;
	(pc) =	sbr.abs _section_cstart, $3  }
0xc1: {  	[dreg:$0x1] =	wrdreg $0xFFFFFFFF  }
0xc2: {  	_ =	task.clear_ibuf [dreg:s7], $0x2FFFF;
	_ =	strace $0x9FFFFFFF  }
0xc3: {  	(tm) =	ssettm $0x7FFFFFFF  }
tec
execute0_lowered:
.L_overlay_start_1:
0x0: {  	(tag) =	ssettag $0x1  }
0x1: {  	s1 =	rddreg [dreg:$0x0]  }
0x2: {  	s6 =	rddreg [dreg:$0x1]  }
0x3: {  	s2 =	rddreg [dreg:$0x2]  }
0x4: {  	s0 =	rddreg [dreg:$0x3];
	s3 =	simm.s32 $0x0  }
0x5: {  	s4 =	srdreg.scid;
	s15 =	simm.s32 $0x1400;
	s16 =	simm.s32 $0x80  }
0x6: {  	s17 =	simm.s32 $0x2800;
	s18 =	simm.s32 $0x6800;
	s19 =	simm.s32 $0x1  }
0x7: {  	s20 =	simm.s32 $0x2;
	s21 =	simm.s32 $0x1380;
	s22 =	simm.s32 $0x2700  }
0x8: {  	s23 =	simm.s32 $0x2780;
	[smem:$0x7FF] =	sst s3;
	s7 =	sand.u32 $0x1, s4  }
0x9: {  	s24 =	simm.s32 $0x0;
	s4 =	stileid.u32;
	s8 =	smul.u32 $0x13C000, s7  }
0xa: {  	s11 =	sadd.s32 $0x61200, s6;
	s12 =	sadd.s32 $0x5200, s6;
	s9 =	smul.u32 $0x13C00, s4  }
0xb: {  	s5 =	sadd.s32 $0xFA00, s6;
	_ =	strace $0x8000004D;
	s25 =	smul.u32 $0x4F000, s4  }
0xc: {  	s10 =	sxor.u32 $0x1, s7;
	s7 =	ssub.s32 $0x2, s7;
	s14 =	smul.u32 $0x50, s4  }
0xd: {  	s30 =	sshll.u32 s4, $0x6;
	s10 =	smul.u32 $0x500, s10;
	s13 =	sshrl.u32 s7, $0x1  }
0xe: {  	s8 =	sadd.s32 s9, s8;
	s13 =	ssub.s32 s7, s13;
	s26 =	sshrl.u32 s25, $0x2  }
0xf: {  	s8 =	sshrl.u32 s8, $0x3;
	s28 =	sadd.s32 s14, s10;
	s29 =	sadd.s32 s26, s2  }
0x10: {  	s14 =	simm.s32 $0x3;
	s8 =	sadd.s32 s8, s6;
	s6 =	sor.u32 $0x1C03, s30  }
0x11: {  	s10 =	sshll.u32 s28, $0x4;
	s7 =	sadd.s32 $0x6B200, s8;
	s8 =	smax.u32 s13, $0x1  }
0x12: {  	s9 =	sadd.s32 s11, s10;
	s31 =	sadd.s32 $0x280, s10;
	s10 =	sadd.s32 s12, s10  }
0x13: {  	s13 =	sshrl.u32 s29, $0x3;
	s11 =	sadd.s32 s11, s31;
	s12 =	sadd.s32 s12, s31  }
.LBB2_1:
0x14: {  	[spmem:s13], [sflag:s6] =	dma.local [hbm:s5], $0x2780  }
0x15: {  	_ =	swait.ge [sflag:s14], $0x2780  }
0x16: {  	[sflag:s14] =	ssyncset.done $0x0  }
0x17: {  	[sflag:s14] =	ssyncadd.s32 $0xFFFFD880  }
0x18: {  	[bflag:$0x0] =	sbarrier.arrive $0xFFFF  }
0x19: {  	[tilespmem:s3], [sflag:$0x3] =	stream.linear.gather [hbm4b:s9+s3], $0x1400, $0x38;
	[tilespmem:$0x1E400] =	vst v63  }
0x1a: {  	_ =	swait.ge [sflag:s14], $0x1400  }
0x1b: {  	[sflag:s14] =	ssyncset.done $0x0  }
0x1c: {  	[sflag:s14] =	ssyncadd.s32 $0xFFFFEC00  }
0x1d: {  	[tilespmem:s15], [sflag:$0x3] =	stream.linear.gather [hbm4b:s10+s3], $0x1400, $0x38;
	[tilespmem:$0x1E400] =	vst v63  }
0x1e: {  	_ =	swait.ge [sflag:s14], $0x1400  }
0x1f: {  	[sflag:s14] =	ssyncset.done $0x0  }
0x20: {  	[sflag:s14] =	ssyncadd.s32 $0xFFFFEC00  }
0x21: {  	[tilespmem:s17], [sflag:$0x1] =	stream.indirect.gather [hbm4b:s1+s16], $0x80, s3, s16, $0xb8;
	[tilespmem:$0x1E400] =	vst v63  }
0x22: {  	s25 =	simm.s32 $0x80  }
0x23: {  	[tilespmem:s18], [sflag:$0x2] =	stream.indirect.gather [hbm4b:s1+s16], $0x80, s25, s16, $0xb8;
	[tilespmem:$0x1E400] =	vst v63  }
0x24: {  	_ =	swait.ge [sflag:s19], $0x4000  }
0x25: {  	[sflag:s19] =	ssyncset.done $0x0  }
0x26: {  	s29 =	simm.s32 $0x1400;
	[sflag:s19] =	ssyncadd.s32 $0xFFFFC000  }
0x27: {  	[spmem:s2] =	stream.indirect.scatter.add.f32 [tilespmem:s17], [sflag:$0x3], $0x80, s29, s16, $0xb8;
	[tilespmem:$0x1E400] =	vst v63  }
0x28: {  	_ =	swait.ge [sflag:s14], $0x4000  }
0x29: {  	[sflag:s14] =	ssyncset.done $0x0  }
0x2a: {  	s30 =	simm.s32 $0x100;
	[sflag:s14] =	ssyncadd.s32 $0xFFFFC000  }
0x2b: {  	[tilespmem:s17], [sflag:$0x1] =	stream.indirect.gather [hbm4b:s1+s16], $0x80, s30, s16, $0xb8;
	[tilespmem:$0x1E400] =	vst v63  }
0x2c: {  	_ =	swait.ge [sflag:s20], $0x4000  }
0x2d: {  	[sflag:s20] =	ssyncset.done $0x0  }
0x2e: {  	s31 =	simm.s32 $0x1480;
	[sflag:s20] =	ssyncadd.s32 $0xFFFFC000  }
0x2f: {  	[spmem:s2] =	stream.indirect.scatter.add.f32 [tilespmem:s18], [sflag:$0x3], $0x80, s31, s16, $0xb8;
	[tilespmem:$0x1E400] =	vst v63  }
0x30: {  	_ =	swait.ge [sflag:s14], $0x4000  }
0x31: {  	s26 =	simm.s32 $0x800;
	s25 =	simm.s32 $0x100;
	[sflag:s14] =	ssyncset.done $0x0  }
.LBB2_2:
0x32: {  	s28 =	sadd.s32 $0x80, s25  }
0x33: {  	[sflag:s14] =	ssyncadd.s32 $0xFFFFC000;
	s29 =	smov.u32 s26;
	s30 =	sadd.s32 $0x400, s26  }
0x34: {  	[tilespmem:s18], [sflag:$0x2] =	stream.indirect.gather [hbm4b:s1+s16], $0x80, s28, s16, $0xb8;
	[tilespmem:$0x1E400] =	vst v63  }
0x35: {  	p0 =	sne.s32 s26, $0x4800;
	_ =	swait.ge [sflag:s19], $0x4000  }
0x36: {  	[sflag:s19] =	ssyncset.done $0x0  }
0x37: {  	s26 =	sadd.s32 $0x1400, s25;
	[sflag:s19] =	ssyncadd.s32 $0xFFFFC000  }
0x38: {  	[spmem:s2] =	stream.indirect.scatter.add.f32 [tilespmem:s17], [sflag:$0x3], $0x80, s26, s16, $0xb8;
	[tilespmem:$0x1E400] =	vst v63  }
0x39: {  	_ =	swait.ge [sflag:s14], $0x4000  }
0x3a: {  	[sflag:s14] =	ssyncset.done $0x0  }
0x3b: {  	s26 =	sadd.s32 $0x100, s25;
	[sflag:s14] =	ssyncadd.s32 $0xFFFFC000  }
0x3c: {  	[tilespmem:s17], [sflag:$0x1] =	stream.indirect.gather [hbm4b:s1+s16], $0x80, s26, s16, $0xb8;
	[tilespmem:$0x1E400] =	vst v63  }
0x3d: {  	_ =	swait.ge [sflag:s20], $0x4000  }
.Ltmp0:
0x3e: {  	[sflag:s20] =	ssyncset.done $0x0;
	(pc) =	sbr.rel @p0 .LBB2_2-.Ltmp0, $4  }
0x3f: {  	s25 =	sadd.s32 $0x1480, s25;
	[sflag:s20] =	ssyncadd.s32 $0xFFFFC000  }
0x40: {  	[spmem:s2] =	stream.indirect.scatter.add.f32 [tilespmem:s18], [sflag:$0x3], $0x80, s25, s16, $0xb8;
	[tilespmem:$0x1E400] =	vst v63  }
0x41: {  	_ =	swait.ge [sflag:s14], $0x4000  }
0x42: {  	s26 =	smov.u32 s30;
	s25 =	sshra.s32 s29, $0x2;
	[sflag:s14] =	ssyncset.done $0x0  }
0x43: {  	s26 =	sadd.s32 $0x80, s25;
	[sflag:s14] =	ssyncadd.s32 $0xFFFFC000  }
0x44: {  	[tilespmem:s18], [sflag:$0x2] =	stream.indirect.gather [hbm4b:s1+s16], $0x80, s26, s16, $0xb8;
	[tilespmem:$0x1E400] =	vst v63  }
0x45: {  	_ =	swait.ge [sflag:s19], $0x4000  }
0x46: {  	[sflag:s19] =	ssyncset.done $0x0  }
0x47: {  	s29 =	sadd.s32 $0x1400, s25;
	[sflag:s19] =	ssyncadd.s32 $0xFFFFC000  }
0x48: {  	[spmem:s2] =	stream.indirect.scatter.add.f32 [tilespmem:s17], [sflag:$0x3], $0x80, s29, s16, $0xb8;
	[tilespmem:$0x1E400] =	vst v63  }
0x49: {  	_ =	swait.ge [sflag:s14], $0x4000  }
0x4a: {  	[sflag:s14] =	ssyncset.done $0x0  }
0x4b: {  	s30 =	sadd.s32 $0x100, s25;
	[sflag:s14] =	ssyncadd.s32 $0xFFFFC000  }
0x4c: {  	[tilespmem:s17], [sflag:$0x1] =	stream.indirect.gather [hbm4b:s1+s16], $0x80, s30, s16, $0xb8;
	[tilespmem:$0x1E400] =	vst v63  }
0x4d: {  	_ =	swait.ge [sflag:s20], $0x4000  }
0x4e: {  	[sflag:s20] =	ssyncset.done $0x0  }
0x4f: {  	s31 =	sadd.s32 $0x1480, s25;
	[sflag:s20] =	ssyncadd.s32 $0xFFFFC000  }
0x50: {  	[spmem:s2] =	stream.indirect.scatter.add.f32 [tilespmem:s18], [sflag:$0x3], $0x80, s31, s16, $0xb8;
	[tilespmem:$0x1E400] =	vst v63  }
0x51: {  	_ =	swait.ge [sflag:s14], $0x4000  }
0x52: {  	[sflag:s14] =	ssyncset.done $0x0  }
0x53: {  	[sflag:s14] =	ssyncadd.s32 $0xFFFFC000  }
0x54: {  	[tilespmem:s18], [sflag:$0x2] =	stream.indirect.gather [hbm4b:s1+s16], $0x80, s21, s16, $0xb8;
	[tilespmem:$0x1E400] =	vst v63  }
0x55: {  	_ =	swait.ge [sflag:s19], $0x4000  }
0x56: {  	[sflag:s19] =	ssyncset.done $0x0  }
0x57: {  	[sflag:s19] =	ssyncadd.s32 $0xFFFFC000  }
0x58: {  	[spmem:s2] =	stream.indirect.scatter.add.f32 [tilespmem:s17], [sflag:$0x3], $0x80, s22, s16, $0xb8;
	[tilespmem:$0x1E400] =	vst v63  }
0x59: {  	_ =	swait.ge [sflag:s14], $0x4000  }
0x5a: {  	[sflag:s14] =	ssyncset.done $0x0  }
0x5b: {  	[sflag:s14] =	ssyncadd.s32 $0xFFFFC000  }
0x5c: {  	_ =	swait.ge [sflag:s20], $0x4000  }
0x5d: {  	[sflag:s20] =	ssyncset.done $0x0  }
0x5e: {  	[sflag:s20] =	ssyncadd.s32 $0xFFFFC000  }
0x5f: {  	[spmem:s2] =	stream.indirect.scatter.add.f32 [tilespmem:s18], [sflag:$0x3], $0x80, s23, s16, $0xb8;
	[tilespmem:$0x1E400] =	vst v63  }
0x60: {  	_ =	swait.ge [sflag:s14], $0x4000  }
0x61: {  	[sflag:s14] =	ssyncset.done $0x0  }
0x62: {  	s26 =	simm.s32 $0x0;
	[sflag:s14] =	ssyncadd.s32 $0xFFFFC000  }
0x63: {  	[tilespmem:s26], [sflag:$0x3] =	stream.linear.gather [hbm4b:s11+s26], $0x1400, $0x38;
	[tilespmem:$0x1E400] =	vst v63  }
0x64: {  	_ =	swait.ge [sflag:s14], $0x1400  }
0x65: {  	[sflag:s14] =	ssyncset.done $0x0  }
0x66: {  	[sflag:s14] =	ssyncadd.s32 $0xFFFFEC00  }
0x67: {  	[tilespmem:s15], [sflag:$0x3] =	stream.linear.gather [hbm4b:s12+s26], $0x1400, $0x38;
	[tilespmem:$0x1E400] =	vst v63  }
0x68: {  	_ =	swait.ge [sflag:s14], $0x1400  }
0x69: {  	[sflag:s14] =	ssyncset.done $0x0  }
0x6a: {  	[sflag:s14] =	ssyncadd.s32 $0xFFFFEC00  }
0x6b: {  	[tilespmem:s17], [sflag:$0x1] =	stream.indirect.gather [hbm4b:s1+s16], $0x80, s26, s16, $0xb8;
	[tilespmem:$0x1E400] =	vst v63  }
0x6c: {  	s28 =	simm.s32 $0x80  }
0x6d: {  	[tilespmem:s18], [sflag:$0x2] =	stream.indirect.gather [hbm4b:s1+s16], $0x80, s28, s16, $0xb8;
	[tilespmem:$0x1E400] =	vst v63  }
0x6e: {  	_ =	swait.ge [sflag:s19], $0x4000  }
0x6f: {  	[sflag:s19] =	ssyncset.done $0x0  }
0x70: {  	s29 =	simm.s32 $0x1400;
	[sflag:s19] =	ssyncadd.s32 $0xFFFFC000  }
0x71: {  	[spmem:s2] =	stream.indirect.scatter.add.f32 [tilespmem:s17], [sflag:$0x3], $0x80, s29, s16, $0xb8;
	[tilespmem:$0x1E400] =	vst v63  }
0x72: {  	_ =	swait.ge [sflag:s14], $0x4000  }
0x73: {  	[sflag:s14] =	ssyncset.done $0x0  }
0x74: {  	s30 =	simm.s32 $0x100;
	[sflag:s14] =	ssyncadd.s32 $0xFFFFC000  }
0x75: {  	[tilespmem:s17], [sflag:$0x1] =	stream.indirect.gather [hbm4b:s1+s16], $0x80, s30, s16, $0xb8;
	[tilespmem:$0x1E400] =	vst v63  }
0x76: {  	_ =	swait.ge [sflag:s20], $0x4000  }
0x77: {  	[sflag:s20] =	ssyncset.done $0x0  }
0x78: {  	s31 =	simm.s32 $0x1480;
	[sflag:s20] =	ssyncadd.s32 $0xFFFFC000  }
0x79: {  	[spmem:s2] =	stream.indirect.scatter.add.f32 [tilespmem:s18], [sflag:$0x3], $0x80, s31, s16, $0xb8;
	[tilespmem:$0x1E400] =	vst v63  }
0x7a: {  	_ =	swait.ge [sflag:s14], $0x4000  }
0x7b: {  	s25 =	simm.s32 $0x100;
	s26 =	simm.s32 $0x800;
	[sflag:s14] =	ssyncset.done $0x0  }
.LBB2_4:
0x7c: {  	s28 =	sadd.s32 $0x80, s25  }
0x7d: {  	[sflag:s14] =	ssyncadd.s32 $0xFFFFC000;
	s29 =	smov.u32 s26;
	s30 =	sadd.s32 $0x400, s26  }
0x7e: {  	[tilespmem:s18], [sflag:$0x2] =	stream.indirect.gather [hbm4b:s1+s16], $0x80, s28, s16, $0xb8;
	[tilespmem:$0x1E400] =	vst v63  }
0x7f: {  	p0 =	sne.s32 s26, $0x4800;
	_ =	swait.ge [sflag:s19], $0x4000  }
0x80: {  	[sflag:s19] =	ssyncset.done $0x0  }
0x81: {  	s26 =	sadd.s32 $0x1400, s25;
	[sflag:s19] =	ssyncadd.s32 $0xFFFFC000  }
0x82: {  	[spmem:s2] =	stream.indirect.scatter.add.f32 [tilespmem:s17], [sflag:$0x3], $0x80, s26, s16, $0xb8;
	[tilespmem:$0x1E400] =	vst v63  }
0x83: {  	_ =	swait.ge [sflag:s14], $0x4000  }
0x84: {  	[sflag:s14] =	ssyncset.done $0x0  }
0x85: {  	s26 =	sadd.s32 $0x100, s25;
	[sflag:s14] =	ssyncadd.s32 $0xFFFFC000  }
0x86: {  	[tilespmem:s17], [sflag:$0x1] =	stream.indirect.gather [hbm4b:s1+s16], $0x80, s26, s16, $0xb8;
	[tilespmem:$0x1E400] =	vst v63  }
0x87: {  	_ =	swait.ge [sflag:s20], $0x4000  }
.Ltmp1:
0x88: {  	[sflag:s20] =	ssyncset.done $0x0;
	(pc) =	sbr.rel @p0 .LBB2_4-.Ltmp1, $4  }
0x89: {  	s25 =	sadd.s32 $0x1480, s25;
	[sflag:s20] =	ssyncadd.s32 $0xFFFFC000  }
0x8a: {  	[spmem:s2] =	stream.indirect.scatter.add.f32 [tilespmem:s18], [sflag:$0x3], $0x80, s25, s16, $0xb8;
	[tilespmem:$0x1E400] =	vst v63  }
0x8b: {  	_ =	swait.ge [sflag:s14], $0x4000  }
0x8c: {  	s26 =	smov.u32 s30;
	s25 =	sshra.s32 s29, $0x2;
	[sflag:s14] =	ssyncset.done $0x0  }
0x8d: {  	s26 =	sadd.s32 $0x80, s25;
	[sflag:s14] =	ssyncadd.s32 $0xFFFFC000  }
0x8e: {  	[tilespmem:s18], [sflag:$0x2] =	stream.indirect.gather [hbm4b:s1+s16], $0x80, s26, s16, $0xb8;
	[tilespmem:$0x1E400] =	vst v63  }
0x8f: {  	_ =	swait.ge [sflag:s19], $0x4000  }
0x90: {  	[sflag:s19] =	ssyncset.done $0x0  }
0x91: {  	s29 =	sadd.s32 $0x1400, s25;
	[sflag:s19] =	ssyncadd.s32 $0xFFFFC000  }
0x92: {  	[spmem:s2] =	stream.indirect.scatter.add.f32 [tilespmem:s17], [sflag:$0x3], $0x80, s29, s16, $0xb8;
	[tilespmem:$0x1E400] =	vst v63  }
0x93: {  	_ =	swait.ge [sflag:s14], $0x4000  }
0x94: {  	[sflag:s14] =	ssyncset.done $0x0  }
0x95: {  	s30 =	sadd.s32 $0x100, s25;
	[sflag:s14] =	ssyncadd.s32 $0xFFFFC000  }
0x96: {  	[tilespmem:s17], [sflag:$0x1] =	stream.indirect.gather [hbm4b:s1+s16], $0x80, s30, s16, $0xb8;
	[tilespmem:$0x1E400] =	vst v63  }
0x97: {  	_ =	swait.ge [sflag:s20], $0x4000  }
0x98: {  	[sflag:s20] =	ssyncset.done $0x0  }
0x99: {  	s31 =	sadd.s32 $0x1480, s25;
	[sflag:s20] =	ssyncadd.s32 $0xFFFFC000  }
0x9a: {  	[spmem:s2] =	stream.indirect.scatter.add.f32 [tilespmem:s18], [sflag:$0x3], $0x80, s31, s16, $0xb8;
	[tilespmem:$0x1E400] =	vst v63  }
0x9b: {  	_ =	swait.ge [sflag:s14], $0x4000  }
0x9c: {  	[sflag:s14] =	ssyncset.done $0x0  }
0x9d: {  	[sflag:s14] =	ssyncadd.s32 $0xFFFFC000  }
0x9e: {  	[tilespmem:s18], [sflag:$0x2] =	stream.indirect.gather [hbm4b:s1+s16], $0x80, s21, s16, $0xb8;
	[tilespmem:$0x1E400] =	vst v63  }
0x9f: {  	_ =	swait.ge [sflag:s19], $0x4000  }
0xa0: {  	[sflag:s19] =	ssyncset.done $0x0  }
0xa1: {  	[sflag:s19] =	ssyncadd.s32 $0xFFFFC000  }
0xa2: {  	[spmem:s2] =	stream.indirect.scatter.add.f32 [tilespmem:s17], [sflag:$0x3], $0x80, s22, s16, $0xb8;
	[tilespmem:$0x1E400] =	vst v63  }
0xa3: {  	_ =	swait.ge [sflag:s14], $0x4000  }
0xa4: {  	[sflag:s14] =	ssyncset.done $0x0  }
0xa5: {  	[sflag:s14] =	ssyncadd.s32 $0xFFFFC000  }
0xa6: {  	_ =	swait.ge [sflag:s20], $0x4000  }
0xa7: {  	[sflag:s20] =	ssyncset.done $0x0  }
0xa8: {  	[sflag:s20] =	ssyncadd.s32 $0xFFFFC000  }
0xa9: {  	[spmem:s2] =	stream.indirect.scatter.add.f32 [tilespmem:s18], [sflag:$0x3], $0x80, s23, s16, $0xb8;
	[tilespmem:$0x1E400] =	vst v63  }
0xaa: {  	_ =	swait.ge [sflag:s14], $0x4000  }
0xab: {  	s24 =	sadd.s32 $0x1, s24;
	[sflag:s14] =	ssyncset.done $0x0  }
0xac: {  	p0 =	sne.s32 s24, s8;
	[sflag:s14] =	ssyncadd.s32 $0xFFFFC000  }
.Ltmp2:
0xad: {  	[bflag:$0x0] =	sbarrier.arrive $0xFFFF;
	(pc) =	sbr.rel @p0 .LBB2_1-.Ltmp2, $4  }
0xae: {  	[hbm:s7], [sflag:s6] =	dma.local [spmem:s13], $0x2780  }
0xaf: {  	_ =	swait.ge [sflag:s14], $0x2780  }
0xb0: {  	[sflag:s14] =	ssyncset.done $0x0  }
0xb1: {  	[sflag:s14] =	ssyncadd.s32 $0xFFFFD880  }
0xb2: {  	_ =	sfence.sel $0x180000  }
0xb3: {  	[bflag:$0x0] =	sbarrier.arrive $0xFFFF  }
0xb4: {  	p0 =	sne.s32 s4, $0x0;
	_ =	strace $0x9000004D  }
0xb5: {  	s0 =	sadd.s32 @!p0 $0x100000, s0;
	[bflag:$0x2] =	sbarrier.arrive $0xFFFF  }
0xb6: {  	[sflag:s0] =	ssyncadd.tile.s32 @!p0 $0x1;
	_ =	shalt  }
.Lfunc_end2:
_tile_overlayer_lowered:
.L_overlay_start_2:
0xb7: {  	(tag) =	ssettag $0x2  }
0xb8: {  	s0 =	rddreg [dreg:$0x0];
	s2 =	stileid.u32  }
0xb9: {  	s1 =	rddreg [dreg:$0x1];
	p0 =	sne.s32 s2, $0x0  }
0xba: {  	s3 =	rddreg [dreg:$0x2];
	[bflag:$0x3] =	sbarrier.arrive $0xFFFF;
	s2 =	simm.s32 @!p0 $0x1C03  }
0xbb: {  	[timem:s3], [sflag:s2] =	dma.local @!p0 [hbm:s0], s1  }
0xbc: {  	s0 =	simm.s32 @!p0 $0x3  }
0xbd: {  	_ =	swait.ge @!p0 [sflag:s0], s1  }
0xbe: {  	s1 =	ssub.s32 @!p0 $0x0, s1;
	[sflag:s0] =	ssyncset.done @!p0 $0x0  }
0xbf: {  	[sflag:s0] =	ssyncadd.s32 @!p0 s1  }
0xc0: {  	[bflag:$0x3] =	sbarrier.arrive $0xFFFF  }
0xc1: {  	_ =	shalt  }

// kernel: kernel.19.cloned.1.call-start
scs
__scs_entry_jumppad:
0x0: {  	(pc) =	sbr.rel $0x88, $3  }
0x1: {  	(tag) =	ssettag $0x0;
	lr =	simm.s32 $0x1  }
0x2: {  	[smem:$0x3F95] =	sst lr;
	_ =	strace $0xD0000000  }
0x3: {  	_ = 	snop  }
0x4: {  	_ = 	snop  }
0x5: {  	_ = 	snop  }
0x6: {  	_ = 	snop  }
0x7: {  	_ = 	snop  }
__scs_overlays_trampoline_lowered:
0x8: {  	[smem:$0x3FA4] =	sst s0  }
0x9: {  	[smem:$0x3FA5] =	sst s1  }
0xa: {  	[smem:$0x3FA6] =	sst s2  }
0xb: {  	[smem:$0x3FA7] =	sst s3  }
0xc: {  	[smem:$0x3FA8] =	sst s4  }
0xd: {  	[smem:$0x3FA9] =	sst s5  }
0xe: {  	[smem:$0x3FAA] =	sst s6  }
0xf: {  	[smem:$0x3FAB] =	sst s7  }
0x10: {  	[smem:$0x3FAC] =	sst s8  }
0x11: {  	[smem:$0x3FAD] =	sst s9;
	s0 =	simm.s32 @!p0 $0x0  }
0x12: {  	s1 =	sld [smem:$0x3F93];
	s0 =	simm.s32 @p0 $0x1  }
0x13: {  	[smem:$0x3FAE] =	sst s0;
	s0 =	simm.s32 @!p1 $0x0  }
0x14: {  	s2 =	sld [smem:$0x3F92];
	s0 =	simm.s32 @p1 $0x1  }
0x15: {  	[smem:$0x3FAF] =	sst s0;
	s0 =	simm.s32 @!p2 $0x0  }
0x16: {  	s3 =	sld [smem:$0x3FDB];
	s0 =	simm.s32 @p2 $0x1  }
0x17: {  	s4 =	simm.s32 $0x1BF5;
	[smem:$0x3FB1] =	sst s0  }
0x18: {  	s0 =	sld [smem:$0x3F94];
	_ =	swait.ge [sflag:s4], $0x0  }
0x19: {  	s7 =	sld [smem:$0x3F95]  }
0x1a: {  	s8 =	sadd.s32 $0xFFFFE003, lr  }
0x1b: {  	s9 =	sadd.s32 $0xFFFFFEF7, lr;
	s5 =	simm.s32 $0xFFFFFFFF;
	p2 =	slt.u32 s8, $0xFFFFF086  }
0x1c: {  	p1 =	slt.u32 s9, $0xF7A;
	s5 =	simm.s32 @!p2 $0x0  }
0x1d: {  	s5 =	simm.s32 @p1 $0x1;
	p0 =	seq.s32 s7, s2  }
0x1e: {  	s7 =	smul.u32 @!p0 $0xF7A, s2;
	p2 =	seq.s32 @!p0 s5, $0x0  }
0x1f: {  	s9 =	smul.u32 $0xF7A, s1;
	s8 =	simm.s32 @!p0 $0x1BF5;
	p2 =	por !p2, p0  }
0x20: {  	[sflag:s8] =	ssyncset.s32 @!p0 $0xFFFFF086;
	s6 =	sadd.s32 @!p0 s3, s7;
	s7 =	simm.s32 @!p0 $0x108  }
0x21: {  	s3 =	sadd.s32 s3, s9;
	s6 =	sadd.s32 @!p0 $0x88, s6;
	s7 =	simm.s32 @p2 $0x1082  }
0x22: {  	[simem:s7], [sflag:s8] =	dma.local @!p0 [hbm:s6], $0xF7A  }
0x23: {  	s9 =	sor.u32 $0xD0000000, s2;
	s6 =	simm.s32 $0x108;
	_ =	swait.ge @!p0 [sflag:s8], $0x0  }
0x24: {  	s3 =	sadd.s32 $0x88, s3;
	s6 =	simm.s32 @!p1 $0x1082;
	[sflag:s4] =	ssyncset.s32 $0xFFFFF086  }
0x25: {  	[simem:s6], [sflag:s4] =	dma.local [hbm:s3], $0xF7A  }
0x26: {  	[smem:$0x3F95] =	sst s1;
	(tag) =	ssettag s2;
	_ =	strace s9  }
0x27: {  	s1 =	sld [smem:$0x3FA5]  }
0x28: {  	s2 =	sld [smem:$0x3FA6]  }
0x29: {  	s4 =	sld [smem:$0x3FA8]  }
0x2a: {  	p0 =	seq.s32 s5, $0x0;
	s5 =	sld [smem:$0x3FA9]  }
0x2b: {  	s6 =	sld [smem:$0x3FAA]  }
0x2c: {  	s7 =	sld [smem:$0x3FAB]  }
0x2d: {  	s3 =	simm.s32 $0x108;
	s8 =	sld [smem:$0x3FAC]  }
0x2e: {  	s3 =	simm.s32 @!p0 $0x1082;
	s9 =	sld [smem:$0x3FAD]  }
0x2f: {  	lr =	sadd.s32 s0, s3;
	s0 =	sld [smem:$0x3FA4]  }
0x30: {  	s3 =	sld [smem:$0x3FA7]  }
0x31: {  	[smem:$0x3FB0] =	sst s10  }
0x32: {  	s10 =	sld [smem:$0x3FAE];
	_ =	sdelay $0x3  }
0x33: {  	p0 =	seq.s32 s10, $0x1;
	s10 =	sld [smem:$0x3FB0];
	_ =	sdelay $0x3  }
0x34: {  	[smem:$0x3FB0] =	sst s10  }
0x35: {  	s10 =	sld [smem:$0x3FAF];
	_ =	sdelay $0x3  }
0x36: {  	p1 =	seq.s32 s10, $0x1;
	s10 =	sld [smem:$0x3FB0];
	_ =	sdelay $0x3  }
0x37: {  	[smem:$0x3FB0] =	sst s10  }
0x38: {  	s10 =	sld [smem:$0x3FB1]  }
0x39: {  	_ = 	snop;
	(pc) =	sbr.ind lr, $3  }
0x3a: {  	_ = 	snop  }
0x3b: {  	_ = 	snop  }
0x3c: {  	p2 =	seq.s32 s10, $0x1;
	s10 =	sld [smem:$0x3FB0]  }
0x3d: {  	_ =	shalt  }
0x3e: {  	_ =	shalt  }
0x3f: {  	_ =	shalt  }
0x40: {  	_ =	shalt  }
0x41: {  	_ =	shalt  }
0x42: {  	_ =	shalt  }
0x43: {  	_ =	shalt  }
0x44: {  	_ =	shalt  }
0x45: {  	_ =	shalt  }
0x46: {  	_ =	shalt  }
0x47: {  	_ =	shalt  }
0x48: {  	_ =	shalt  }
0x49: {  	_ =	shalt  }
0x4a: {  	_ =	shalt  }
0x4b: {  	_ =	shalt  }
0x4c: {  	_ =	shalt  }
0x4d: {  	_ =	shalt  }
0x4e: {  	_ =	shalt  }
0x4f: {  	_ =	shalt  }
0x50: {  	_ =	shalt  }
0x51: {  	_ =	shalt  }
0x52: {  	_ =	shalt  }
0x53: {  	_ =	shalt  }
0x54: {  	_ =	shalt  }
0x55: {  	_ =	shalt  }
0x56: {  	_ =	shalt  }
0x57: {  	_ =	shalt  }
0x58: {  	_ =	shalt  }
0x59: {  	_ =	shalt  }
0x5a: {  	_ =	shalt  }
0x5b: {  	_ =	shalt  }
0x5c: {  	_ =	shalt  }
0x5d: {  	_ =	shalt  }
0x5e: {  	_ =	shalt  }
0x5f: {  	_ =	shalt  }
0x60: {  	_ =	shalt  }
0x61: {  	_ =	shalt  }
0x62: {  	_ =	shalt  }
0x63: {  	_ =	shalt  }
0x64: {  	_ =	shalt  }
0x65: {  	_ =	shalt  }
0x66: {  	_ =	shalt  }
0x67: {  	_ =	shalt  }
0x68: {  	_ =	shalt  }
0x69: {  	_ =	shalt  }
0x6a: {  	_ =	shalt  }
0x6b: {  	_ =	shalt  }
0x6c: {  	_ =	shalt  }
0x6d: {  	_ =	shalt  }
0x6e: {  	_ =	shalt  }
0x6f: {  	_ =	shalt  }
0x70: {  	_ =	shalt  }
0x71: {  	_ =	shalt  }
0x72: {  	_ =	shalt  }
0x73: {  	_ =	shalt  }
0x74: {  	_ =	shalt  }
0x75: {  	_ =	shalt  }
0x76: {  	_ =	shalt  }
0x77: {  	_ =	shalt  }
0x78: {  	_ =	shalt  }
0x79: {  	_ =	shalt  }
0x7a: {  	_ =	shalt  }
0x7b: {  	_ =	shalt  }
0x7c: {  	_ =	shalt  }
0x7d: {  	_ =	shalt  }
0x7e: {  	_ =	shalt  }
0x7f: {  	_ =	shalt  }
0x80: {  	_ =	shalt  }
0x81: {  	_ =	shalt  }
0x82: {  	_ =	shalt  }
0x83: {  	_ =	shalt  }
0x84: {  	_ =	shalt  }
0x85: {  	_ =	shalt  }
0x86: {  	_ =	shalt  }
0x87: {  	_ =	shalt  }
.Lfunc_end0:
.L_simem_size_0:
called_computation.3_lowered:
.L_overlay_start_0:
0x88: {  	s2 =	sld [smem:$0x3FD9]  }
0x89: {  	s3 =	sld [smem:$0x3FFE];
	_ =	sdelay $0x1  }
0x8a: {  	s1 =	srdreg.scid  }
0x8b: {  	s0 =	sand.u32 $0x1, s1  }
0x8c: {  	s17 =	sshll.u32 s0, $0xA;
	s2 =	sadd.s32 s3, s2  }
0x8d: {  	s2 =	sadd.s32 s2, s17  }
0x8e: {  	[smem:$0x3FBC] =	sst s2  }
0x8f: {  	_ = 	snop  }
0x90: {  	s2 =	sld [smem:$0x3FD0];
	(tm) =	ssettm $0x1  }
0x91: {  	s18 =	sld [smem:$0x3FFB];
	_ =	sdelay $0x3  }
0x92: {  	_ =	strace s18  }
0x93: {  	s3 =	sld [smem:$0x3FFC];
	_ =	sdelay $0x3  }
0x94: {  	_ =	strace s3  }
0x95: {  	s3 =	sld [smem:$0x3FFD];
	_ =	sdelay $0x3  }
0x96: {  	_ =	strace s3  }
0x97: {  	_ =	strace $0x8FFFFFFF  }
0x98: {  	s19 =	sld [smem:$0x3FDB];
	_ =	sdelay $0x1  }
0x99: {  	s4 =	simm.s32 $_scs_section_size  }
0x9a: {  	s5 =	simm.s32 $_size__tile_overlayer_lowered;
	s6 =	simm.s32 $_tile_overlayer_lowered  }
0x9b: {  	s22 =	simm.s32 $0x1BFF;
	s21 =	sshll.u32 s6, $0x1;
	s3 =	sadd.s32 s4, s19  }
0x9c: {  	s7 =	simm.s32 $0x0;
	s20 =	sshll.u32 s5, $0x1;
	s5 =	sadd.s32 s21, s3  }
0x9d: {  	[timem:s7], [sflag:s22] =	dma.local [hbm:s5], s20  }
0x9e: {  	_ =	swait.ge [sflag:s22], s20  }
0x9f: {  	s4 =	ssub.s32 $0x0, s20;
	[sflag:s22] =	ssyncset.done $0x0  }
0xa0: {  	[sflag:s22] =	ssyncadd.s32 s4;
	_ =	sdelay $0x1  }
0xa1: {  	s23 =	simm.s32 $0x1B8B  }
0xa2: {  	_ =	swait.ge [sflag:s23], $0x1  }
0xa3: {  	[sflag:s23] =	ssyncset.done $0x0  }
0xa4: {  	s25 =	simm.s32 $0x1B8E;
	s24 =	sld [smem:$0x3FFE];
	[sflag:s23] =	ssyncadd.s32 $0xFFFFFFFF  }
0xa5: {  	s26 =	simm.s32 $execute0_lowered;
	[smem:$0x3FD2] =	sst s25  }
0xa6: {  	s5 =	sshll.u32 s26, $0x1;
	_ =	strace $0x8000004F;
	[dreg:$0x1] =	wrdreg $0xFFFFFFFF  }
0xa7: {  	s28 =	simm.s32 $_size_execute0_lowered;
	s3 =	sadd.s32 s3, s5;
	[dreg:$0x0] =	wrdreg $0x0  }
0xa8: {  	s5 =	sshll.u32 s28, $0x1;
	[dreg:$0x2] =	wrdreg s3  }
0xa9: {  	[dreg:$0x3] =	wrdreg s5  }
0xaa: {  	[dreg:$0x4] =	wrdreg $0xC0  }
0xab: {  	_ =	task [dreg:s7], $0x5FFFF  }
0xac: {  	[dreg:$0x1] =	wrdreg $0xFFFFFFFF  }
0xad: {  	[dreg:$0x0] =	wrdreg $0x60  }
0xae: {  	[dreg:$0x2] =	wrdreg s2  }
0xaf: {  	[dreg:$0x3] =	wrdreg s24  }
0xb0: {  	[dreg:$0x4] =	wrdreg $0xA8000  }
0xb1: {  	[dreg:$0x5] =	wrdreg $0x9  }
0xb2: {  	_ =	task.clear_ibuf [dreg:s7], $0x6FFFF;
	_ =	strace $0x9000004F  }
0xb3: {  	s29 =	simm.s32 $0x9;
	_ =	strace $0x80000051  }
0xb4: {  	_ =	swait.ge [sflag:s29], $0x1  }
0xb5: {  	[sflag:s29] =	ssyncadd.s32 $0xFFFFFFFF  }
0xb6: {  	_ =	strace $0x90000051  }
0xb7: {  	_ =	sfence  }
0xb8: {  	s30 =	sld [smem:$0x0];
	_ =	sdelay $0x2  }
0xb9: {  	s31 =	sshll.u32 s1, $0xD;
	s1 =	sshrl.u32 s1, $0x2  }
0xba: {  	s3 =	sand.u32 $0x4000, s31;
	s1 =	sadd.s32 s1, s30  }
0xbb: {  	s0 =	sor.u32 s3, s0;
	s1 =	sshll.u32 s1, $0x11  }
0xbc: {  	s0 =	sor.u32 s1, s0  }
0xbd: {  	s0 =	sadd.s32 $0x8F2B, s0  }
0xbe: {  	[sflag:s0] =	ssyncadd.remote.s32 $0x1  }
0xbf: {  	_ =	sfence.sel $0xFFFF  }
0xc0: {  	[dreg:$0x0] =	wrdreg $0xFFFFFFFF;
	(pc) =	sbr.abs _section_cstart, $3  }
0xc1: {  	[dreg:$0x1] =	wrdreg $0xFFFFFFFF  }
0xc2: {  	_ =	task.clear_ibuf [dreg:s7], $0x2FFFF;
	_ =	strace $0x9FFFFFFF  }
0xc3: {  	(tm) =	ssettm $0x7FFFFFFF  }
tec
execute0_lowered:
.L_overlay_start_1:
0x0: {  	(tag) =	ssettag $0x1  }
0x1: {  	s1 =	rddreg [dreg:$0x0]  }
0x2: {  	s6 =	rddreg [dreg:$0x1]  }
0x3: {  	s2 =	rddreg [dreg:$0x2]  }
0x4: {  	s0 =	rddreg [dreg:$0x3];
	s3 =	simm.s32 $0x0  }
0x5: {  	s4 =	srdreg.scid;
	s15 =	simm.s32 $0x1400;
	s16 =	simm.s32 $0x80  }
0x6: {  	s17 =	simm.s32 $0x2800;
	s18 =	simm.s32 $0x6800;
	s19 =	simm.s32 $0x1  }
0x7: {  	s20 =	simm.s32 $0x2;
	s21 =	simm.s32 $0x1380;
	s22 =	simm.s32 $0x2700  }
0x8: {  	s23 =	simm.s32 $0x2780;
	[smem:$0x7FF] =	sst s3;
	s7 =	sand.u32 $0x1, s4  }
0x9: {  	s24 =	simm.s32 $0x0;
	s4 =	stileid.u32;
	s8 =	smul.u32 $0x13C000, s7  }
0xa: {  	s11 =	sadd.s32 $0x61200, s6;
	s12 =	sadd.s32 $0x5200, s6;
	s9 =	smul.u32 $0x13C00, s4  }
0xb: {  	s5 =	sadd.s32 $0xFA00, s6;
	_ =	strace $0x80000050;
	s25 =	smul.u32 $0x4F000, s4  }
0xc: {  	s10 =	sxor.u32 $0x1, s7;
	s7 =	ssub.s32 $0x2, s7;
	s14 =	smul.u32 $0x50, s4  }
0xd: {  	s30 =	sshll.u32 s4, $0x6;
	s10 =	smul.u32 $0x500, s10;
	s13 =	sshrl.u32 s7, $0x1  }
0xe: {  	s8 =	sadd.s32 s9, s8;
	s13 =	ssub.s32 s7, s13;
	s26 =	sshrl.u32 s25, $0x2  }
0xf: {  	s8 =	sshrl.u32 s8, $0x3;
	s28 =	sadd.s32 s14, s10;
	s29 =	sadd.s32 s26, s2  }
0x10: {  	s14 =	simm.s32 $0x3;
	s8 =	sadd.s32 s8, s6;
	s6 =	sor.u32 $0x1C03, s30  }
0x11: {  	s10 =	sshll.u32 s28, $0x4;
	s7 =	sadd.s32 $0x6B200, s8;
	s8 =	smax.u32 s13, $0x1  }
0x12: {  	s9 =	sadd.s32 s11, s10;
	s31 =	sadd.s32 $0x280, s10;
	s10 =	sadd.s32 s12, s10  }
0x13: {  	s13 =	sshrl.u32 s29, $0x3;
	s11 =	sadd.s32 s11, s31;
	s12 =	sadd.s32 s12, s31  }
.LBB2_1:
0x14: {  	[spmem:s13], [sflag:s6] =	dma.local [hbm:s5], $0x2780  }
0x15: {  	_ =	swait.ge [sflag:s14], $0x2780  }
0x16: {  	[sflag:s14] =	ssyncset.done $0x0  }
0x17: {  	[sflag:s14] =	ssyncadd.s32 $0xFFFFD880  }
0x18: {  	[bflag:$0x0] =	sbarrier.arrive $0xFFFF  }
0x19: {  	[tilespmem:s3], [sflag:$0x3] =	stream.linear.gather [hbm4b:s9+s3], $0x1400, $0x38;
	[tilespmem:$0x1E400] =	vst v63  }
0x1a: {  	_ =	swait.ge [sflag:s14], $0x1400  }
0x1b: {  	[sflag:s14] =	ssyncset.done $0x0  }
0x1c: {  	[sflag:s14] =	ssyncadd.s32 $0xFFFFEC00  }
0x1d: {  	[tilespmem:s15], [sflag:$0x3] =	stream.linear.gather [hbm4b:s10+s3], $0x1400, $0x38;
	[tilespmem:$0x1E400] =	vst v63  }
0x1e: {  	_ =	swait.ge [sflag:s14], $0x1400  }
0x1f: {  	[sflag:s14] =	ssyncset.done $0x0  }
0x20: {  	[sflag:s14] =	ssyncadd.s32 $0xFFFFEC00  }
0x21: {  	[tilespmem:s17], [sflag:$0x1] =	stream.indirect.gather [hbm4b:s1+s16], $0x80, s3, s16, $0xb8;
	[tilespmem:$0x1E400] =	vst v63  }
0x22: {  	s25 =	simm.s32 $0x80  }
0x23: {  	[tilespmem:s18], [sflag:$0x2] =	stream.indirect.gather [hbm4b:s1+s16], $0x80, s25, s16, $0xb8;
	[tilespmem:$0x1E400] =	vst v63  }
0x24: {  	_ =	swait.ge [sflag:s19], $0x4000  }
0x25: {  	[sflag:s19] =	ssyncset.done $0x0  }
0x26: {  	s29 =	simm.s32 $0x1400;
	[sflag:s19] =	ssyncadd.s32 $0xFFFFC000  }
0x27: {  	[spmem:s2] =	stream.indirect.scatter.add.f32 [tilespmem:s17], [sflag:$0x3], $0x80, s29, s16, $0xb8;
	[tilespmem:$0x1E400] =	vst v63  }
0x28: {  	_ =	swait.ge [sflag:s14], $0x4000  }
0x29: {  	[sflag:s14] =	ssyncset.done $0x0  }
0x2a: {  	s30 =	simm.s32 $0x100;
	[sflag:s14] =	ssyncadd.s32 $0xFFFFC000  }
0x2b: {  	[tilespmem:s17], [sflag:$0x1] =	stream.indirect.gather [hbm4b:s1+s16], $0x80, s30, s16, $0xb8;
	[tilespmem:$0x1E400] =	vst v63  }
0x2c: {  	_ =	swait.ge [sflag:s20], $0x4000  }
0x2d: {  	[sflag:s20] =	ssyncset.done $0x0  }
0x2e: {  	s31 =	simm.s32 $0x1480;
	[sflag:s20] =	ssyncadd.s32 $0xFFFFC000  }
0x2f: {  	[spmem:s2] =	stream.indirect.scatter.add.f32 [tilespmem:s18], [sflag:$0x3], $0x80, s31, s16, $0xb8;
	[tilespmem:$0x1E400] =	vst v63  }
0x30: {  	_ =	swait.ge [sflag:s14], $0x4000  }
0x31: {  	s26 =	simm.s32 $0x800;
	s25 =	simm.s32 $0x100;
	[sflag:s14] =	ssyncset.done $0x0  }
.LBB2_2:
0x32: {  	s28 =	sadd.s32 $0x80, s25  }
0x33: {  	[sflag:s14] =	ssyncadd.s32 $0xFFFFC000;
	s29 =	smov.u32 s26;
	s30 =	sadd.s32 $0x400, s26  }
0x34: {  	[tilespmem:s18], [sflag:$0x2] =	stream.indirect.gather [hbm4b:s1+s16], $0x80, s28, s16, $0xb8;
	[tilespmem:$0x1E400] =	vst v63  }
0x35: {  	p0 =	sne.s32 s26, $0x4800;
	_ =	swait.ge [sflag:s19], $0x4000  }
0x36: {  	[sflag:s19] =	ssyncset.done $0x0  }
0x37: {  	s26 =	sadd.s32 $0x1400, s25;
	[sflag:s19] =	ssyncadd.s32 $0xFFFFC000  }
0x38: {  	[spmem:s2] =	stream.indirect.scatter.add.f32 [tilespmem:s17], [sflag:$0x3], $0x80, s26, s16, $0xb8;
	[tilespmem:$0x1E400] =	vst v63  }
0x39: {  	_ =	swait.ge [sflag:s14], $0x4000  }
0x3a: {  	[sflag:s14] =	ssyncset.done $0x0  }
0x3b: {  	s26 =	sadd.s32 $0x100, s25;
	[sflag:s14] =	ssyncadd.s32 $0xFFFFC000  }
0x3c: {  	[tilespmem:s17], [sflag:$0x1] =	stream.indirect.gather [hbm4b:s1+s16], $0x80, s26, s16, $0xb8;
	[tilespmem:$0x1E400] =	vst v63  }
0x3d: {  	_ =	swait.ge [sflag:s20], $0x4000  }
.Ltmp0:
0x3e: {  	[sflag:s20] =	ssyncset.done $0x0;
	(pc) =	sbr.rel @p0 .LBB2_2-.Ltmp0, $4  }
0x3f: {  	s25 =	sadd.s32 $0x1480, s25;
	[sflag:s20] =	ssyncadd.s32 $0xFFFFC000  }
0x40: {  	[spmem:s2] =	stream.indirect.scatter.add.f32 [tilespmem:s18], [sflag:$0x3], $0x80, s25, s16, $0xb8;
	[tilespmem:$0x1E400] =	vst v63  }
0x41: {  	_ =	swait.ge [sflag:s14], $0x4000  }
0x42: {  	s26 =	smov.u32 s30;
	s25 =	sshra.s32 s29, $0x2;
	[sflag:s14] =	ssyncset.done $0x0  }
0x43: {  	s26 =	sadd.s32 $0x80, s25;
	[sflag:s14] =	ssyncadd.s32 $0xFFFFC000  }
0x44: {  	[tilespmem:s18], [sflag:$0x2] =	stream.indirect.gather [hbm4b:s1+s16], $0x80, s26, s16, $0xb8;
	[tilespmem:$0x1E400] =	vst v63  }
0x45: {  	_ =	swait.ge [sflag:s19], $0x4000  }
0x46: {  	[sflag:s19] =	ssyncset.done $0x0  }
0x47: {  	s29 =	sadd.s32 $0x1400, s25;
	[sflag:s19] =	ssyncadd.s32 $0xFFFFC000  }
0x48: {  	[spmem:s2] =	stream.indirect.scatter.add.f32 [tilespmem:s17], [sflag:$0x3], $0x80, s29, s16, $0xb8;
	[tilespmem:$0x1E400] =	vst v63  }
0x49: {  	_ =	swait.ge [sflag:s14], $0x4000  }
0x4a: {  	[sflag:s14] =	ssyncset.done $0x0  }
0x4b: {  	s30 =	sadd.s32 $0x100, s25;
	[sflag:s14] =	ssyncadd.s32 $0xFFFFC000  }
0x4c: {  	[tilespmem:s17], [sflag:$0x1] =	stream.indirect.gather [hbm4b:s1+s16], $0x80, s30, s16, $0xb8;
	[tilespmem:$0x1E400] =	vst v63  }
0x4d: {  	_ =	swait.ge [sflag:s20], $0x4000  }
0x4e: {  	[sflag:s20] =	ssyncset.done $0x0  }
0x4f: {  	s31 =	sadd.s32 $0x1480, s25;
	[sflag:s20] =	ssyncadd.s32 $0xFFFFC000  }
0x50: {  	[spmem:s2] =	stream.indirect.scatter.add.f32 [tilespmem:s18], [sflag:$0x3], $0x80, s31, s16, $0xb8;
	[tilespmem:$0x1E400] =	vst v63  }
0x51: {  	_ =	swait.ge [sflag:s14], $0x4000  }
0x52: {  	[sflag:s14] =	ssyncset.done $0x0  }
0x53: {  	[sflag:s14] =	ssyncadd.s32 $0xFFFFC000  }
0x54: {  	[tilespmem:s18], [sflag:$0x2] =	stream.indirect.gather [hbm4b:s1+s16], $0x80, s21, s16, $0xb8;
	[tilespmem:$0x1E400] =	vst v63  }
0x55: {  	_ =	swait.ge [sflag:s19], $0x4000  }
0x56: {  	[sflag:s19] =	ssyncset.done $0x0  }
0x57: {  	[sflag:s19] =	ssyncadd.s32 $0xFFFFC000  }
0x58: {  	[spmem:s2] =	stream.indirect.scatter.add.f32 [tilespmem:s17], [sflag:$0x3], $0x80, s22, s16, $0xb8;
	[tilespmem:$0x1E400] =	vst v63  }
0x59: {  	_ =	swait.ge [sflag:s14], $0x4000  }
0x5a: {  	[sflag:s14] =	ssyncset.done $0x0  }
0x5b: {  	[sflag:s14] =	ssyncadd.s32 $0xFFFFC000  }
0x5c: {  	_ =	swait.ge [sflag:s20], $0x4000  }
0x5d: {  	[sflag:s20] =	ssyncset.done $0x0  }
0x5e: {  	[sflag:s20] =	ssyncadd.s32 $0xFFFFC000  }
0x5f: {  	[spmem:s2] =	stream.indirect.scatter.add.f32 [tilespmem:s18], [sflag:$0x3], $0x80, s23, s16, $0xb8;
	[tilespmem:$0x1E400] =	vst v63  }
0x60: {  	_ =	swait.ge [sflag:s14], $0x4000  }
0x61: {  	[sflag:s14] =	ssyncset.done $0x0  }
0x62: {  	s26 =	simm.s32 $0x0;
	[sflag:s14] =	ssyncadd.s32 $0xFFFFC000  }
0x63: {  	[tilespmem:s26], [sflag:$0x3] =	stream.linear.gather [hbm4b:s11+s26], $0x1400, $0x38;
	[tilespmem:$0x1E400] =	vst v63  }
0x64: {  	_ =	swait.ge [sflag:s14], $0x1400  }
0x65: {  	[sflag:s14] =	ssyncset.done $0x0  }
0x66: {  	[sflag:s14] =	ssyncadd.s32 $0xFFFFEC00  }
0x67: {  	[tilespmem:s15], [sflag:$0x3] =	stream.linear.gather [hbm4b:s12+s26], $0x1400, $0x38;
	[tilespmem:$0x1E400] =	vst v63  }
0x68: {  	_ =	swait.ge [sflag:s14], $0x1400  }
0x69: {  	[sflag:s14] =	ssyncset.done $0x0  }
0x6a: {  	[sflag:s14] =	ssyncadd.s32 $0xFFFFEC00  }
0x6b: {  	[tilespmem:s17], [sflag:$0x1] =	stream.indirect.gather [hbm4b:s1+s16], $0x80, s26, s16, $0xb8;
	[tilespmem:$0x1E400] =	vst v63  }
0x6c: {  	s28 =	simm.s32 $0x80  }
0x6d: {  	[tilespmem:s18], [sflag:$0x2] =	stream.indirect.gather [hbm4b:s1+s16], $0x80, s28, s16, $0xb8;
	[tilespmem:$0x1E400] =	vst v63  }
0x6e: {  	_ =	swait.ge [sflag:s19], $0x4000  }
0x6f: {  	[sflag:s19] =	ssyncset.done $0x0  }
0x70: {  	s29 =	simm.s32 $0x1400;
	[sflag:s19] =	ssyncadd.s32 $0xFFFFC000  }
0x71: {  	[spmem:s2] =	stream.indirect.scatter.add.f32 [tilespmem:s17], [sflag:$0x3], $0x80, s29, s16, $0xb8;
	[tilespmem:$0x1E400] =	vst v63  }
0x72: {  	_ =	swait.ge [sflag:s14], $0x4000  }
0x73: {  	[sflag:s14] =	ssyncset.done $0x0  }
0x74: {  	s30 =	simm.s32 $0x100;
	[sflag:s14] =	ssyncadd.s32 $0xFFFFC000  }
0x75: {  	[tilespmem:s17], [sflag:$0x1] =	stream.indirect.gather [hbm4b:s1+s16], $0x80, s30, s16, $0xb8;
	[tilespmem:$0x1E400] =	vst v63  }
0x76: {  	_ =	swait.ge [sflag:s20], $0x4000  }
0x77: {  	[sflag:s20] =	ssyncset.done $0x0  }
0x78: {  	s31 =	simm.s32 $0x1480;
	[sflag:s20] =	ssyncadd.s32 $0xFFFFC000  }
0x79: {  	[spmem:s2] =	stream.indirect.scatter.add.f32 [tilespmem:s18], [sflag:$0x3], $0x80, s31, s16, $0xb8;
	[tilespmem:$0x1E400] =	vst v63  }
0x7a: {  	_ =	swait.ge [sflag:s14], $0x4000  }
0x7b: {  	s25 =	simm.s32 $0x100;
	s26 =	simm.s32 $0x800;
	[sflag:s14] =	ssyncset.done $0x0  }
.LBB2_4:
0x7c: {  	s28 =	sadd.s32 $0x80, s25  }
0x7d: {  	[sflag:s14] =	ssyncadd.s32 $0xFFFFC000;
	s29 =	smov.u32 s26;
	s30 =	sadd.s32 $0x400, s26  }
0x7e: {  	[tilespmem:s18], [sflag:$0x2] =	stream.indirect.gather [hbm4b:s1+s16], $0x80, s28, s16, $0xb8;
	[tilespmem:$0x1E400] =	vst v63  }
0x7f: {  	p0 =	sne.s32 s26, $0x4800;
	_ =	swait.ge [sflag:s19], $0x4000  }
0x80: {  	[sflag:s19] =	ssyncset.done $0x0  }
0x81: {  	s26 =	sadd.s32 $0x1400, s25;
	[sflag:s19] =	ssyncadd.s32 $0xFFFFC000  }
0x82: {  	[spmem:s2] =	stream.indirect.scatter.add.f32 [tilespmem:s17], [sflag:$0x3], $0x80, s26, s16, $0xb8;
	[tilespmem:$0x1E400] =	vst v63  }
0x83: {  	_ =	swait.ge [sflag:s14], $0x4000  }
0x84: {  	[sflag:s14] =	ssyncset.done $0x0  }
0x85: {  	s26 =	sadd.s32 $0x100, s25;
	[sflag:s14] =	ssyncadd.s32 $0xFFFFC000  }
0x86: {  	[tilespmem:s17], [sflag:$0x1] =	stream.indirect.gather [hbm4b:s1+s16], $0x80, s26, s16, $0xb8;
	[tilespmem:$0x1E400] =	vst v63  }
0x87: {  	_ =	swait.ge [sflag:s20], $0x4000  }
.Ltmp1:
0x88: {  	[sflag:s20] =	ssyncset.done $0x0;
	(pc) =	sbr.rel @p0 .LBB2_4-.Ltmp1, $4  }
0x89: {  	s25 =	sadd.s32 $0x1480, s25;
	[sflag:s20] =	ssyncadd.s32 $0xFFFFC000  }
0x8a: {  	[spmem:s2] =	stream.indirect.scatter.add.f32 [tilespmem:s18], [sflag:$0x3], $0x80, s25, s16, $0xb8;
	[tilespmem:$0x1E400] =	vst v63  }
0x8b: {  	_ =	swait.ge [sflag:s14], $0x4000  }
0x8c: {  	s26 =	smov.u32 s30;
	s25 =	sshra.s32 s29, $0x2;
	[sflag:s14] =	ssyncset.done $0x0  }
0x8d: {  	s26 =	sadd.s32 $0x80, s25;
	[sflag:s14] =	ssyncadd.s32 $0xFFFFC000  }
0x8e: {  	[tilespmem:s18], [sflag:$0x2] =	stream.indirect.gather [hbm4b:s1+s16], $0x80, s26, s16, $0xb8;
	[tilespmem:$0x1E400] =	vst v63  }
0x8f: {  	_ =	swait.ge [sflag:s19], $0x4000  }
0x90: {  	[sflag:s19] =	ssyncset.done $0x0  }
0x91: {  	s29 =	sadd.s32 $0x1400, s25;
	[sflag:s19] =	ssyncadd.s32 $0xFFFFC000  }
0x92: {  	[spmem:s2] =	stream.indirect.scatter.add.f32 [tilespmem:s17], [sflag:$0x3], $0x80, s29, s16, $0xb8;
	[tilespmem:$0x1E400] =	vst v63  }
0x93: {  	_ =	swait.ge [sflag:s14], $0x4000  }
0x94: {  	[sflag:s14] =	ssyncset.done $0x0  }
0x95: {  	s30 =	sadd.s32 $0x100, s25;
	[sflag:s14] =	ssyncadd.s32 $0xFFFFC000  }
0x96: {  	[tilespmem:s17], [sflag:$0x1] =	stream.indirect.gather [hbm4b:s1+s16], $0x80, s30, s16, $0xb8;
	[tilespmem:$0x1E400] =	vst v63  }
0x97: {  	_ =	swait.ge [sflag:s20], $0x4000  }
0x98: {  	[sflag:s20] =	ssyncset.done $0x0  }
0x99: {  	s31 =	sadd.s32 $0x1480, s25;
	[sflag:s20] =	ssyncadd.s32 $0xFFFFC000  }
0x9a: {  	[spmem:s2] =	stream.indirect.scatter.add.f32 [tilespmem:s18], [sflag:$0x3], $0x80, s31, s16, $0xb8;
	[tilespmem:$0x1E400] =	vst v63  }
0x9b: {  	_ =	swait.ge [sflag:s14], $0x4000  }
0x9c: {  	[sflag:s14] =	ssyncset.done $0x0  }
0x9d: {  	[sflag:s14] =	ssyncadd.s32 $0xFFFFC000  }
0x9e: {  	[tilespmem:s18], [sflag:$0x2] =	stream.indirect.gather [hbm4b:s1+s16], $0x80, s21, s16, $0xb8;
	[tilespmem:$0x1E400] =	vst v63  }
0x9f: {  	_ =	swait.ge [sflag:s19], $0x4000  }
0xa0: {  	[sflag:s19] =	ssyncset.done $0x0  }
0xa1: {  	[sflag:s19] =	ssyncadd.s32 $0xFFFFC000  }
0xa2: {  	[spmem:s2] =	stream.indirect.scatter.add.f32 [tilespmem:s17], [sflag:$0x3], $0x80, s22, s16, $0xb8;
	[tilespmem:$0x1E400] =	vst v63  }
0xa3: {  	_ =	swait.ge [sflag:s14], $0x4000  }
0xa4: {  	[sflag:s14] =	ssyncset.done $0x0  }
0xa5: {  	[sflag:s14] =	ssyncadd.s32 $0xFFFFC000  }
0xa6: {  	_ =	swait.ge [sflag:s20], $0x4000  }
0xa7: {  	[sflag:s20] =	ssyncset.done $0x0  }
0xa8: {  	[sflag:s20] =	ssyncadd.s32 $0xFFFFC000  }
0xa9: {  	[spmem:s2] =	stream.indirect.scatter.add.f32 [tilespmem:s18], [sflag:$0x3], $0x80, s23, s16, $0xb8;
	[tilespmem:$0x1E400] =	vst v63  }
0xaa: {  	_ =	swait.ge [sflag:s14], $0x4000  }
0xab: {  	s24 =	sadd.s32 $0x1, s24;
	[sflag:s14] =	ssyncset.done $0x0  }
0xac: {  	p0 =	sne.s32 s24, s8;
	[sflag:s14] =	ssyncadd.s32 $0xFFFFC000  }
.Ltmp2:
0xad: {  	[bflag:$0x0] =	sbarrier.arrive $0xFFFF;
	(pc) =	sbr.rel @p0 .LBB2_1-.Ltmp2, $4  }
0xae: {  	[hbm:s7], [sflag:s6] =	dma.local [spmem:s13], $0x2780  }
0xaf: {  	_ =	swait.ge [sflag:s14], $0x2780  }
0xb0: {  	[sflag:s14] =	ssyncset.done $0x0  }
0xb1: {  	[sflag:s14] =	ssyncadd.s32 $0xFFFFD880  }
0xb2: {  	_ =	sfence.sel $0x180000  }
0xb3: {  	[bflag:$0x0] =	sbarrier.arrive $0xFFFF  }
0xb4: {  	p0 =	sne.s32 s4, $0x0;
	_ =	strace $0x90000050  }
0xb5: {  	s0 =	sadd.s32 @!p0 $0x100000, s0;
	[bflag:$0x2] =	sbarrier.arrive $0xFFFF  }
0xb6: {  	[sflag:s0] =	ssyncadd.tile.s32 @!p0 $0x1;
	_ =	shalt  }
.Lfunc_end2:
_tile_overlayer_lowered:
.L_overlay_start_2:
0xb7: {  	(tag) =	ssettag $0x2  }
0xb8: {  	s0 =	rddreg [dreg:$0x0];
	s2 =	stileid.u32  }
0xb9: {  	s1 =	rddreg [dreg:$0x1];
	p0 =	sne.s32 s2, $0x0  }
0xba: {  	s3 =	rddreg [dreg:$0x2];
	[bflag:$0x3] =	sbarrier.arrive $0xFFFF;
	s2 =	simm.s32 @!p0 $0x1C03  }
0xbb: {  	[timem:s3], [sflag:s2] =	dma.local @!p0 [hbm:s0], s1  }
0xbc: {  	s0 =	simm.s32 @!p0 $0x3  }
0xbd: {  	_ =	swait.ge @!p0 [sflag:s0], s1  }
0xbe: {  	s1 =	ssub.s32 @!p0 $0x0, s1;
	[sflag:s0] =	ssyncset.done @!p0 $0x0  }
0xbf: {  	[sflag:s0] =	ssyncadd.s32 @!p0 s1  }
0xc0: {  	[bflag:$0x3] =	sbarrier.arrive $0xFFFF  }
0xc1: {  	_ =	shalt  }

</sc_bundles>
